<compile_context>
chip_gen: v7x
topology: tpu7x:2x2x1
jax: 0.10.2.dev20260603
libtpu: 0.0.44.dev20260713+nightly
codegen_flags: <defaults>
</compile_context>

<pallas_src>
import functools

import jax
import jax.numpy as jnp
from jax import lax
from jax.experimental import pallas as pl
from jax.experimental.pallas import tpu as pltpu
from jax.experimental.pallas import tpu_sc as plsc

NC = 2
NS = 16
NW = NC * NS
L = 16

NNODES = 10000
NEDGES = 320000
D = 128
ABLK = 100
ABLKS = NEDGES // NW // ABLK
HP = 10240
ROWS_PER_TILE = HP // NS
CB = 25
NCHUNK = ABLKS // CB
ZR = 80


def _sc_hist(ei3):

    @functools.partial(
        pl.kernel,
        out_type=jax.ShapeDtypeStruct((NC, HP), jnp.float32),
        mesh=plsc.VectorSubcoreMesh(core_axis_name="c", subcore_axis_name="s"),
        compiler_params=pltpu.CompilerParams(use_tc_tiling_on_sc=False),
        scratch_types=[
            pltpu.VMEM((CB, ABLK), jnp.int32),
            pltpu.VMEM((112,), jnp.float32),
            pltpu.VMEM((ROWS_PER_TILE,), jnp.float32),
            pltpu.SemaphoreType.DMA,
            pltpu.VMEM_SHARED((HP,), jnp.float32),
        ],
    )
    def k(ei_hbm, out_hbm, idx_v, ones_v, z_v, sem, hist_sh):
        c = lax.axis_index("c")
        s = lax.axis_index("s")
        w = c * NS + s

        @pl.loop(0, 112, step=L)
        def _init_ones(i):
            ones_v[pl.ds(i, L)] = jnp.ones((L,), jnp.float32)

        @pl.loop(0, ROWS_PER_TILE, step=L)
        def _init_zeros(i):
            z_v[pl.ds(i, L)] = jnp.zeros((L,), jnp.float32)

        pltpu.sync_copy(z_v, hist_sh.at[pl.ds(s * ROWS_PER_TILE,
                                              ROWS_PER_TILE)])
        plsc.subcore_barrier()

        @pl.loop(0, NCHUNK)
        def _chunk(ch):
            pltpu.sync_copy(ei_hbm.at[0, pl.ds(w * ABLKS + ch * CB, CB)],
                            idx_v)

            @pl.loop(0, CB)
            def _accum(j):
                pltpu.async_copy(ones_v.at[pl.ds(0, ABLK)],
                                 hist_sh.at[idx_v.at[j]], sem, add=True)

            @pl.loop(0, CB)
            def _drain(j):
                pltpu.make_async_copy(ones_v.at[pl.ds(0, ABLK)],
                                      hist_sh.at[idx_v.at[j]], sem).wait()

        plsc.subcore_barrier()
        pltpu.sync_copy(hist_sh.at[pl.ds(s * ROWS_PER_TILE, ROWS_PER_TILE)],
                        out_hbm.at[c, pl.ds(s * ROWS_PER_TILE,
                                            ROWS_PER_TILE)])

    return k(ei3)


def _sc_agg(ei3, xs1, dis1):

    @functools.partial(
        pl.kernel,
        out_type=[
            jax.ShapeDtypeStruct((NC, HP, D), jnp.float32),
            jax.ShapeDtypeStruct((NC, HP), jnp.float32),
        ],
        mesh=plsc.VectorSubcoreMesh(core_axis_name="c", subcore_axis_name="s"),
        compiler_params=pltpu.CompilerParams(use_tc_tiling_on_sc=False),
        scratch_types=[
            pltpu.VMEM((CB, ABLK), jnp.int32),
            pltpu.VMEM((CB, ABLK), jnp.int32),
            pltpu.VMEM((ABLK, D), jnp.float32),
            pltpu.VMEM((ABLK, D), jnp.float32),
            pltpu.VMEM((ABLK, D), jnp.float32),
            pltpu.VMEM((ABLK,), jnp.float32),
            pltpu.VMEM((ABLK,), jnp.float32),
            pltpu.VMEM((ABLK,), jnp.float32),
            pltpu.VMEM((ROWS_PER_TILE,), jnp.float32),
        ] + [pltpu.SemaphoreType.DMA] * 12 + [
            pltpu.VMEM_SHARED((HP, D), jnp.float32),
            pltpu.VMEM_SHARED((HP,), jnp.float32),
        ],
    )
    def k(ei_hbm, xs_hbm, dis_hbm, out_hbm, outs_hbm, ri_v, ci_v, va, vb,
          vc, sa_v, sb_v, sc_v, z_v, sg0, sg1, sg2, ss0, ss1, ss2,
          sh0, sh1, sh2, sw0, sw1, sw2, acc_sh, sacc_sh):
        c = lax.axis_index("c")
        s = lax.axis_index("s")
        w = c * NS + s

        bufs = [va, vb, vc]
        sbufs = [sa_v, sb_v, sc_v]
        sg = [sg0, sg1, sg2]
        ss = [ss0, ss1, ss2]
        sh = [sh0, sh1, sh2]
        sw = [sw0, sw1, sw2]

        def g_start(x, b):
            pltpu.async_copy(xs_hbm.at[ri_v.at[b]], bufs[x], sg[x])
            pltpu.async_copy(dis_hbm.at[ri_v.at[b]], sbufs[x], sh[x])

        def g_wait(x, b):
            pltpu.make_async_copy(xs_hbm.at[ri_v.at[b]], bufs[x],
                                  sg[x]).wait()
            pltpu.async_copy(bufs[x], acc_sh.at[ci_v.at[b]], ss[x], add=True)
            pltpu.make_async_copy(dis_hbm.at[ri_v.at[b]], sbufs[x],
                                  sh[x]).wait()

        def s_start(x, b):
            pltpu.async_copy(sbufs[x], sacc_sh.at[ci_v.at[b]], sw[x],
                             add=True)

        def s_wait(x, b):
            pltpu.make_async_copy(bufs[x], acc_sh.at[ci_v.at[b]],
                                  ss[x]).wait()
            pltpu.make_async_copy(sbufs[x], sacc_sh.at[ci_v.at[b]],
                                  sw[x]).wait()

        @pl.loop(0, ZR)
        def _zrow(i):
            @pl.loop(0, D, step=L)
            def _zcol(j):
                va[i, pl.ds(j, L)] = jnp.zeros((L,), jnp.float32)

        @pl.loop(0, ROWS_PER_TILE, step=L)
        def _zs(i):
            z_v[pl.ds(i, L)] = jnp.zeros((L,), jnp.float32)

        @pl.loop(0, ROWS_PER_TILE, step=ZR)
        def _zacc(r):
            pltpu.sync_copy(va.at[pl.ds(0, ZR)],
                            acc_sh.at[pl.ds(s * ROWS_PER_TILE + r, ZR)])

        pltpu.sync_copy(z_v, sacc_sh.at[pl.ds(s * ROWS_PER_TILE,
                                              ROWS_PER_TILE)])
        plsc.subcore_barrier()

        @pl.loop(0, NCHUNK)
        def _chunk(ch):
            jc = w * ABLKS + ch * CB
            pltpu.sync_copy(ei_hbm.at[0, pl.ds(jc, CB)], ri_v)
            pltpu.sync_copy(ei_hbm.at[1, pl.ds(jc, CB)], ci_v)
            for x in range(3):
                g_start(x, x)

            @pl.loop(0, CB - 4, step=3)
            def _round(j):
                for x in range(3):
                    b = j + x
                    g_wait(x, b)
                    s_start(x, b)
                    s_wait(x, b)
                    g_start(x, b + 3)

            g_wait(0, CB - 4)
            s_start(0, CB - 4)
            s_wait(0, CB - 4)
            g_start(0, CB - 1)
            for x in (1, 2):
                b = CB - 4 + x
                g_wait(x, b)
                s_start(x, b)
                s_wait(x, b)
            g_wait(0, CB - 1)
            s_start(0, CB - 1)
            s_wait(0, CB - 1)

        plsc.subcore_barrier()

        pltpu.sync_copy(acc_sh.at[pl.ds(s * ROWS_PER_TILE, ROWS_PER_TILE)],
                        out_hbm.at[c, pl.ds(s * ROWS_PER_TILE,
                                            ROWS_PER_TILE)])
        pltpu.sync_copy(sacc_sh.at[pl.ds(s * ROWS_PER_TILE, ROWS_PER_TILE)],
                        outs_hbm.at[c, pl.ds(s * ROWS_PER_TILE,
                                             ROWS_PER_TILE)])

    return k(ei3, xs1, dis1)


_BMP = 2048


def _tc_prep(hist, x):

    def body(h_ref, x_ref, o_ref, d_ref):
        deg = lax.dot_general(
            h_ref[...], jnp.ones((NC, 1), jnp.float32),
            (((0,), (0,)), ((), ())),
            preferred_element_type=jnp.float32) + 1.0
        dis = lax.rsqrt(deg)
        o_ref[...] = dis * x_ref[...]
        d_ref[...] = jnp.broadcast_to(dis, (_BMP, 16))

    return pl.pallas_call(
        body,
        grid=(HP // _BMP,),
        in_specs=[
            pl.BlockSpec((NC, _BMP), lambda i: (0, i)),
            pl.BlockSpec((_BMP, D), lambda i: (i, 0)),
        ],
        out_specs=[
            pl.BlockSpec((_BMP, D), lambda i: (i, 0)),
            pl.BlockSpec((_BMP, 16), lambda i: (i, 0)),
        ],
        out_shape=[
            jax.ShapeDtypeStruct((HP, D), jnp.float32),
            jax.ShapeDtypeStruct((HP, 16), jnp.float32),
        ],
    )(hist, x)


def _tc_dense(x, dis16, parts, parts_s, W_low, b_low, W_high, b_high, W_id,
              b_id, W_gate, b_gate):
    def body(x_ref, d_ref, p_ref, ps_ref, wl, bl, wh, bh, wi, bi, wg, bg,
             o_ref):
        dis = d_ref[...][:, 0:1]
        p = p_ref[...]
        xv = x_ref[...]
        AG = dis * (p[0] + p[1] + dis * xv)
        pssum = lax.dot_general(
            ps_ref[...], jnp.ones((NC, 1), jnp.float32),
            (((0,), (0,)), ((), ())),
            preferred_element_type=jnp.float32)
        sc = dis * (pssum + dis)
        agg_low = jnp.dot(AG, wl[...],
                          preferred_element_type=jnp.float32) + sc * bl[...]
        agg_high = (jnp.dot(xv - AG, wh[...],
                            preferred_element_type=jnp.float32)
                    + (1.0 - sc) * bh[...])
        x_id = jnp.dot(xv, wi[...], preferred_element_type=jnp.float32) + bi[...]
        logits = jnp.dot(xv, wg[...],
                         preferred_element_type=jnp.float32) + bg[...]
        m = jnp.max(logits, axis=1, keepdims=True)
        e = jnp.exp(logits - m)
        g = e / jnp.sum(e, axis=1, keepdims=True)
        o_ref[...] = (g[:, 0:1] * agg_low + g[:, 1:2] * agg_high
                      + g[:, 2:3] * x_id)

    def full(shape):
        return pl.BlockSpec(shape, lambda i: tuple(0 for _ in shape))

    return pl.pallas_call(
        body,
        grid=(HP // _BMP,),
        in_specs=[
            pl.BlockSpec((_BMP, D), lambda i: (i, 0)),
            pl.BlockSpec((_BMP, 16), lambda i: (i, 0)),
            pl.BlockSpec((NC, _BMP, D), lambda i: (0, i, 0)),
            pl.BlockSpec((NC, _BMP), lambda i: (0, i)),
            full((D, D)), full((1, D)),
            full((D, D)), full((1, D)),
            full((D, D)), full((1, D)),
            full((D, 3)), full((1, 3)),
        ],
        out_specs=pl.BlockSpec((_BMP, D), lambda i: (i, 0)),
        out_shape=jax.ShapeDtypeStruct((NNODES, D), jnp.float32),
    )(x, dis16, parts, parts_s, W_low, b_low.reshape(1, D), W_high,
      b_high.reshape(1, D), W_id, b_id.reshape(1, D), W_gate,
      b_gate.reshape(1, 3))


def kernel(x, edge_index, W_low, b_low, W_high, b_high, W_id, b_id, W_gate,
           b_gate):
    ei3 = edge_index.reshape(2, NW * ABLKS, ABLK)
    hist = _sc_hist(ei3)
    xs1, dis16 = _tc_prep(hist, x)
    dis1 = dis16[:, 0]
    parts, parts_s = _sc_agg(ei3, xs1, dis1)
    return _tc_dense(x, dis16, parts, parts_s, W_low, b_low, W_high, b_high,
                     W_id, b_id, W_gate, b_gate)

# --- scband reference (transcript-rebuilt; emitter-appended) ---
"""Pipeline reference for scband-acmconv-88802743812568 (READ-ONLY COPY).

The authoritative reference and input builder live on the scoring server;
editing this copy changes nothing except your own understanding.
"""

import jax, jax.numpy as jnp
import numpy as np

N = 10000
E = 320000
D = 128


def setup_inputs(seed: int = 0) -> dict:
    key = jax.random.key(seed)
    ks = jax.random.split(key, 12)
    x = jax.random.normal(ks[0], (N, D), dtype=jnp.float32)
    edge_index = jax.random.randint(ks[1], (2, E), 0, N, dtype=jnp.int32)
    W_low = jax.random.normal(ks[2], (D, D), dtype=jnp.float32) * 0.05
    b_low = jax.random.normal(ks[3], (D,), dtype=jnp.float32) * 0.05
    W_high = jax.random.normal(ks[4], (D, D), dtype=jnp.float32) * 0.05
    b_high = jax.random.normal(ks[5], (D,), dtype=jnp.float32) * 0.05
    W_id = jax.random.normal(ks[6], (D, D), dtype=jnp.float32) * 0.05
    b_id = jax.random.normal(ks[7], (D,), dtype=jnp.float32) * 0.05
    W_gate = jax.random.normal(ks[8], (D, 3), dtype=jnp.float32) * 0.05
    b_gate = jax.random.normal(ks[9], (3,), dtype=jnp.float32) * 0.05
    return {"x": x, "edge_index": edge_index, "W_low": W_low, "b_low": b_low,
            "W_high": W_high, "b_high": b_high, "W_id": W_id, "b_id": b_id,
            "W_gate": W_gate, "b_gate": b_gate}


def reference(x, edge_index, W_low, b_low, W_high, b_high, W_id, b_id, W_gate, b_gate):
    num_nodes = x.shape[0]
    loops = jnp.arange(num_nodes, dtype=edge_index.dtype)
    row = jnp.concatenate([edge_index[0], loops])
    col = jnp.concatenate([edge_index[1], loops])
    # degree of row (out-degree w/ self loops), clamped at 1
    deg = jnp.zeros((num_nodes,), dtype=x.dtype).at[row].add(1.0)
    deg = jnp.maximum(deg, 1.0)
    deg_inv_sqrt = deg ** -0.5
    norm = deg_inv_sqrt[row] * deg_inv_sqrt[col]
    # low-pass channel: GCN-style propagation
    x_low = x @ W_low + b_low
    agg_low = jnp.zeros_like(x_low).at[col].add(norm[:, None] * x_low[row])
    # high-pass channel: (I - A_hat) x W_high
    x_high = x @ W_high + b_high
    agg_high_low = jnp.zeros_like(x_high).at[col].add(norm[:, None] * x_high[row])
    agg_high = x_high - agg_high_low
    # identity channel
    x_id = x @ W_id + b_id
    # gating
    gate_logits = x @ W_gate + b_gate
    gate_weights = jax.nn.softmax(gate_logits, axis=1)
    out = (gate_weights[:, 0:1] * agg_low
           + gate_weights[:, 1:2] * agg_high
           + gate_weights[:, 2:3] * x_id)
    return out

if __name__ == "__main__":
    import jax
    _d = setup_inputs()
    print(jax.jit(kernel)(*tuple(_d.values())))

</pallas_src>

<mosaic_0001>
#map = affine_map<(d0, d1) -> (0, 0, 0)>
#map1 = affine_map<(d0, d1) -> (0, 0)>
#map2 = affine_map<(d0, d1) -> (0)>
module attributes {stable_mosaic.version = 14 : i64} {
  func.func @k(%arg0: i32, %arg1: i32, %arg2: memref<2x3200x100xi32, #tpu.memory_space<hbm>>, %arg3: memref<10240x128xf32, #tpu.memory_space<hbm>>, %arg4: memref<10240xf32, #tpu.memory_space<hbm>>, %arg5: memref<2x10240x128xf32, #tpu.memory_space<hbm>>, %arg6: memref<2x10240xf32, #tpu.memory_space<hbm>>, %arg7: memref<25x100xi32, #tpu.memory_space<vmem>>, %arg8: memref<25x100xi32, #tpu.memory_space<vmem>>, %arg9: memref<100x128xf32, #tpu.memory_space<vmem>>, %arg10: memref<100x128xf32, #tpu.memory_space<vmem>>, %arg11: memref<100x128xf32, #tpu.memory_space<vmem>>, %arg12: memref<100xf32, #tpu.memory_space<vmem>>, %arg13: memref<100xf32, #tpu.memory_space<vmem>>, %arg14: memref<100xf32, #tpu.memory_space<vmem>>, %arg15: memref<640xf32, #tpu.memory_space<vmem>>, %arg16: memref<!tpu.dma_semaphore, #tpu.memory_space<semaphore_mem>>, %arg17: memref<!tpu.dma_semaphore, #tpu.memory_space<semaphore_mem>>, %arg18: memref<!tpu.dma_semaphore, #tpu.memory_space<semaphore_mem>>, %arg19: memref<!tpu.dma_semaphore, #tpu.memory_space<semaphore_mem>>, %arg20: memref<!tpu.dma_semaphore, #tpu.memory_space<semaphore_mem>>, %arg21: memref<!tpu.dma_semaphore, #tpu.memory_space<semaphore_mem>>, %arg22: memref<!tpu.dma_semaphore, #tpu.memory_space<semaphore_mem>>, %arg23: memref<!tpu.dma_semaphore, #tpu.memory_space<semaphore_mem>>, %arg24: memref<!tpu.dma_semaphore, #tpu.memory_space<semaphore_mem>>, %arg25: memref<!tpu.dma_semaphore, #tpu.memory_space<semaphore_mem>>, %arg26: memref<!tpu.dma_semaphore, #tpu.memory_space<semaphore_mem>>, %arg27: memref<!tpu.dma_semaphore, #tpu.memory_space<semaphore_mem>>, %arg28: memref<10240x128xf32, #tpu.memory_space<vmem_shared>>, %arg29: memref<10240xf32, #tpu.memory_space<vmem_shared>>) attributes {dimension_semantics = [#tpu.dimension_semantics<core_parallel>, #tpu.dimension_semantics<subcore_parallel>], iteration_bounds = array<i64: 2, 16>, scalar_prefetch = 0 : i64, scratch_operands = 23 : i64, tpu.core_type = #tpu.core_type<sc_vector_subcore>, window_params = [{transform_indices = #map}, {transform_indices = #map1}, {transform_indices = #map2}, {transform_indices = #map}, {transform_indices = #map1}]} {
    %mul3A = arith.constant 16 : i32
    %mul3A_0 = arith.muli %arg0, %mul3A : i32
    %add3A = arith.addi %mul3A_0, %arg1 : i32
    %scan3A = arith.constant 0 : i32
    %scan3A_1 = arith.constant 80 : i32
    %scan3A_2 = arith.addi %scan3A, %scan3A_1 : i32
    %scan3A_3 = arith.constant 1 : i32
    scf.for %scan3A_31 = %scan3A to %scan3A_2 step %scan3A_3  : i32 {
      %mul3A_32 = arith.constant 1 : i32
      %mul3A_33 = arith.muli %scan3A_31, %mul3A_32 : i32
      %add3A_34 = arith.constant 0 : i32
      %add3A_35 = arith.addi %add3A_34, %mul3A_33 : i32
      %scan3A_36 = arith.constant 0 : i32
      %scan3A_37 = arith.constant 8 : i32
      %scan3A_38 = arith.addi %scan3A_36, %scan3A_37 : i32
      %scan3A_39 = arith.constant 1 : i32
      scf.for %scan3A_41 = %scan3A_36 to %scan3A_38 step %scan3A_39  : i32 {
        %mul3A_42 = arith.constant 16 : i32
        %mul3A_43 = arith.muli %scan3A_41, %mul3A_42 : i32
        %add3A_44 = arith.constant 0 : i32
        %add3A_45 = arith.addi %add3A_44, %mul3A_43 : i32
        %broadcast_in_dim3A = arith.constant 0.000000e+00 : f32
        %broadcast_in_dim3A_46 = vector.broadcast %broadcast_in_dim3A : f32 to vector<16xf32>
        %swap3A = arith.index_cast %add3A_35 : i32 to index
        %swap3A_47 = arith.index_cast %add3A_45 : i32 to index
        %swap3A_48 = tpu.vector_load %arg9[%swap3A, %swap3A_47] {strides = array<i32>} : memref<100x128xf32, #tpu.memory_space<vmem>>, vector<1x16xf32>,
        %swap3A_49 = vector.shape_cast %swap3A_48 : vector<1x16xf32> to vector<16xf32>
        %swap3A_50 = vector.shape_cast %broadcast_in_dim3A_46 : vector<16xf32> to vector<1x16xf32>
        tpu.vector_store %arg9[%swap3A, %swap3A_47], %swap3A_50 {strides = array<i32>} : memref<100x128xf32, #tpu.memory_space<vmem>>, vector<1x16xf32>,
      }
      %scan3A_40 = arith.constant 8 : i32
    }
    %scan3A_4 = arith.constant 80 : i32
    %scan3A_5 = arith.constant 0 : i32
    %scan3A_6 = arith.constant 40 : i32
    %scan3A_7 = arith.addi %scan3A_5, %scan3A_6 : i32
    %scan3A_8 = arith.constant 1 : i32
    scf.for %scan3A_31 = %scan3A_5 to %scan3A_7 step %scan3A_8  : i32 {
      %mul3A_32 = arith.constant 16 : i32
      %mul3A_33 = arith.muli %scan3A_31, %mul3A_32 : i32
      %add3A_34 = arith.constant 0 : i32
      %add3A_35 = arith.addi %add3A_34, %mul3A_33 : i32
      %broadcast_in_dim3A = arith.constant 0.000000e+00 : f32
      %broadcast_in_dim3A_36 = vector.broadcast %broadcast_in_dim3A : f32 to vector<16xf32>
      %swap3A = arith.index_cast %add3A_35 : i32 to index
      %swap3A_37 = tpu.vector_load %arg15[%swap3A] {strides = array<i32>} : memref<640xf32, #tpu.memory_space<vmem>>, vector<16xf32>,
      %swap3A_38 = vector.shape_cast %swap3A_37 : vector<16xf32> to vector<16xf32>
      %swap3A_39 = vector.shape_cast %broadcast_in_dim3A_36 : vector<16xf32> to vector<16xf32>
      tpu.vector_store %arg15[%swap3A], %swap3A_39 {strides = array<i32>} : memref<640xf32, #tpu.memory_space<vmem>>, vector<16xf32>,
    }
    %scan3A_9 = arith.constant 40 : i32
    %scan3A_10 = arith.constant 0 : i32
    %scan3A_11 = arith.constant 8 : i32
    %scan3A_12 = arith.addi %scan3A_10, %scan3A_11 : i32
    %scan3A_13 = arith.constant 1 : i32
    scf.for %scan3A_31 = %scan3A_10 to %scan3A_12 step %scan3A_13  : i32 {
      %mul3A_32 = arith.constant 80 : i32
      %mul3A_33 = arith.muli %scan3A_31, %mul3A_32 : i32
      %add3A_34 = arith.constant 0 : i32
      %add3A_35 = arith.addi %add3A_34, %mul3A_33 : i32
      %mul3A_36 = arith.constant 640 : i32
      %mul3A_37 = arith.muli %arg1, %mul3A_36 : i32
      %add3A_38 = arith.addi %mul3A_37, %add3A_35 : i32
      "tpu.region"() ({
        %run_scoped3A = tpu.sem_alloc : memref<!tpu.dma_semaphore, #tpu.memory_space<semaphore_mem>>
        %dma_start3A = arith.constant 0 : i32
        %dma_start3A_39 = arith.constant 0 : i32
        %dma_start3A_40 = tpu.memref_slice %arg9[%dma_start3A, %dma_start3A_39] : memref<100x128xf32, #tpu.memory_space<vmem>> -> memref<80x128xf32, #tpu.memory_space<vmem>>
        %dma_start3A_41 = arith.constant 0 : i32
        %dma_start3A_42 = tpu.memref_slice %arg28[%add3A_38, %dma_start3A_41] : memref<10240x128xf32, #tpu.memory_space<vmem_shared>> -> memref<80x128xf32, #tpu.memory_space<vmem_shared>>
        %dma_start3A_43 = arith.constant 0 : i32
        %dma_start3A_44 = tpu.memref_slice %arg28[%add3A_38, %dma_start3A_43] : memref<10240x128xf32, #tpu.memory_space<vmem_shared>> -> memref<80x128xf32, #tpu.memory_space<vmem_shared>>
        %dma_start3A_45 = arith.constant 0 : i32
        %dma_start3A_46 = arith.constant 0 : i32
        %dma_start3A_47 = tpu.memref_slice %arg9[%dma_start3A_45, %dma_start3A_46] : memref<100x128xf32, #tpu.memory_space<vmem>> -> memref<80x128xf32, #tpu.memory_space<vmem>>
        tpu.enqueue_dma source(%dma_start3A_47 : memref<80x128xf32, #tpu.memory_space<vmem>>) target(%dma_start3A_44 : memref<80x128xf32, #tpu.memory_space<vmem_shared>>) target_semaphore(%run_scoped3A : memref<!tpu.dma_semaphore, #tpu.memory_space<semaphore_mem>>)
        %dma_wait3A = arith.constant 0 : i32
        %dma_wait3A_48 = arith.constant 0 : i32
        %dma_wait3A_49 = tpu.memref_slice %arg9[%dma_wait3A, %dma_wait3A_48] : memref<100x128xf32, #tpu.memory_space<vmem>> -> memref<80x128xf32, #tpu.memory_space<vmem>>
        %dma_wait3A_50 = arith.constant 0 : i32
        %dma_wait3A_51 = tpu.memref_slice %arg28[%add3A_38, %dma_wait3A_50] : memref<10240x128xf32, #tpu.memory_space<vmem_shared>> -> memref<80x128xf32, #tpu.memory_space<vmem_shared>>
        %dma_wait3A_52 = arith.constant 0 : i32
        %dma_wait3A_53 = tpu.memref_slice %arg28[%add3A_38, %dma_wait3A_52] : memref<10240x128xf32, #tpu.memory_space<vmem_shared>> -> memref<80x128xf32, #tpu.memory_space<vmem_shared>>
        %dma_wait3A_54 = arith.constant 0 : i32
        %dma_wait3A_55 = arith.constant 0 : i32
        %dma_wait3A_56 = tpu.memref_slice %arg9[%dma_wait3A_54, %dma_wait3A_55] : memref<100x128xf32, #tpu.memory_space<vmem>> -> memref<80x128xf32, #tpu.memory_space<vmem>>
        tpu.wait_dma2 semaphore(%run_scoped3A : memref<!tpu.dma_semaphore, #tpu.memory_space<semaphore_mem>>) src(%dma_wait3A_56 : memref<80x128xf32, #tpu.memory_space<vmem>>) dst(%dma_wait3A_53 : memref<80x128xf32, #tpu.memory_space<vmem_shared>>)
        tpu.yield
      }) : () -> ()
    }
    %scan3A_14 = arith.constant 8 : i32
    %mul3A_15 = arith.constant 640 : i32
    %mul3A_16 = arith.muli %arg1, %mul3A_15 : i32
    "tpu.region"() ({
      %run_scoped3A = tpu.sem_alloc : memref<!tpu.dma_semaphore, #tpu.memory_space<semaphore_mem>>
      %dma_start3A = tpu.memref_slice %arg29[%mul3A_16] : memref<10240xf32, #tpu.memory_space<vmem_shared>> -> memref<640xf32, #tpu.memory_space<vmem_shared>>
      %dma_start3A_31 = tpu.memref_slice %arg29[%mul3A_16] : memref<10240xf32, #tpu.memory_space<vmem_shared>> -> memref<640xf32, #tpu.memory_space<vmem_shared>>
      tpu.enqueue_dma source(%arg15 : memref<640xf32, #tpu.memory_space<vmem>>) target(%dma_start3A_31 : memref<640xf32, #tpu.memory_space<vmem_shared>>) target_semaphore(%run_scoped3A : memref<!tpu.dma_semaphore, #tpu.memory_space<semaphore_mem>>)
      %dma_wait3A = tpu.memref_slice %arg29[%mul3A_16] : memref<10240xf32, #tpu.memory_space<vmem_shared>> -> memref<640xf32, #tpu.memory_space<vmem_shared>>
      %dma_wait3A_32 = tpu.memref_slice %arg29[%mul3A_16] : memref<10240xf32, #tpu.memory_space<vmem_shared>> -> memref<640xf32, #tpu.memory_space<vmem_shared>>
      tpu.wait_dma2 semaphore(%run_scoped3A : memref<!tpu.dma_semaphore, #tpu.memory_space<semaphore_mem>>) src(%arg15 : memref<640xf32, #tpu.memory_space<vmem>>) dst(%dma_wait3A_32 : memref<640xf32, #tpu.memory_space<vmem_shared>>)
      tpu.yield
    }) : () -> ()
    %barrier3A = arith.constant 0 : index
    tpu.barrier barrier_id(%barrier3A)
    %scan3A_17 = arith.constant 0 : i32
    %scan3A_18 = arith.constant 4 : i32
    %scan3A_19 = arith.addi %scan3A_17, %scan3A_18 : i32
    %scan3A_20 = arith.constant 1 : i32
    scf.for %scan3A_31 = %scan3A_17 to %scan3A_19 step %scan3A_20  : i32 {
      %mul3A_32 = arith.constant 1 : i32
      %mul3A_33 = arith.muli %scan3A_31, %mul3A_32 : i32
      %add3A_34 = arith.constant 0 : i32
      %add3A_35 = arith.addi %add3A_34, %mul3A_33 : i32
      %mul3A_36 = arith.constant 100 : i32
      %mul3A_37 = arith.muli %add3A, %mul3A_36 : i32
      %mul3A_38 = arith.constant 25 : i32
      %mul3A_39 = arith.muli %add3A_35, %mul3A_38 : i32
      %add3A_40 = arith.addi %mul3A_37, %mul3A_39 : i32
      %run_scoped3A = arith.constant 0 : i32
      "tpu.region"() ({
        %run_scoped3A_253 = tpu.sem_alloc : memref<!tpu.dma_semaphore, #tpu.memory_space<semaphore_mem>>
        %dma_start3A_254 = arith.constant 0 : i32
        %dma_start3A_255 = tpu.memref_slice %arg2[%run_scoped3A, %add3A_40, %dma_start3A_254] : memref<2x3200x100xi32, #tpu.memory_space<hbm>> -> memref<1x25x100xi32, #tpu.memory_space<hbm>>
        %dma_start3A_256 = tpu.memref_squeeze %dma_start3A_255 : memref<1x25x100xi32, #tpu.memory_space<hbm>> -> memref<25x100xi32, #tpu.memory_space<hbm>>
        %dma_start3A_257 = arith.constant 0 : i32
        %dma_start3A_258 = tpu.memref_slice %arg2[%run_scoped3A, %add3A_40, %dma_start3A_257] : memref<2x3200x100xi32, #tpu.memory_space<hbm>> -> memref<1x25x100xi32, #tpu.memory_space<hbm>>
        %dma_start3A_259 = tpu.memref_squeeze %dma_start3A_258 : memref<1x25x100xi32, #tpu.memory_space<hbm>> -> memref<25x100xi32, #tpu.memory_space<hbm>>
        tpu.enqueue_dma source(%dma_start3A_259 : memref<25x100xi32, #tpu.memory_space<hbm>>) target(%arg7 : memref<25x100xi32, #tpu.memory_space<vmem>>) target_semaphore(%run_scoped3A_253 : memref<!tpu.dma_semaphore, #tpu.memory_space<semaphore_mem>>)
        %dma_wait3A_260 = arith.constant 0 : i32
        %dma_wait3A_261 = tpu.memref_slice %arg2[%run_scoped3A, %add3A_40, %dma_wait3A_260] : memref<2x3200x100xi32, #tpu.memory_space<hbm>> -> memref<1x25x100xi32, #tpu.memory_space<hbm>>
        %dma_wait3A_262 = tpu.memref_squeeze %dma_wait3A_261 : memref<1x25x100xi32, #tpu.memory_space<hbm>> -> memref<25x100xi32, #tpu.memory_space<hbm>>
        %dma_wait3A_263 = arith.constant 0 : i32
        %dma_wait3A_264 = tpu.memref_slice %arg2[%run_scoped3A, %add3A_40, %dma_wait3A_263] : memref<2x3200x100xi32, #tpu.memory_space<hbm>> -> memref<1x25x100xi32, #tpu.memory_space<hbm>>
        %dma_wait3A_265 = tpu.memref_squeeze %dma_wait3A_264 : memref<1x25x100xi32, #tpu.memory_space<hbm>> -> memref<25x100xi32, #tpu.memory_space<hbm>>
        tpu.wait_dma2 semaphore(%run_scoped3A_253 : memref<!tpu.dma_semaphore, #tpu.memory_space<semaphore_mem>>) src(%dma_wait3A_265 : memref<25x100xi32, #tpu.memory_space<hbm>>) dst(%arg7 : memref<25x100xi32, #tpu.memory_space<vmem>>)
        tpu.yield
      }) : () -> ()
      %run_scoped3A_41 = arith.constant 1 : i32
      "tpu.region"() ({
        %run_scoped3A_253 = tpu.sem_alloc : memref<!tpu.dma_semaphore, #tpu.memory_space<semaphore_mem>>
        %dma_start3A_254 = arith.constant 0 : i32
        %dma_start3A_255 = tpu.memref_slice %arg2[%run_scoped3A_41, %add3A_40, %dma_start3A_254] : memref<2x3200x100xi32, #tpu.memory_space<hbm>> -> memref<1x25x100xi32, #tpu.memory_space<hbm>>
        %dma_start3A_256 = tpu.memref_squeeze %dma_start3A_255 : memref<1x25x100xi32, #tpu.memory_space<hbm>> -> memref<25x100xi32, #tpu.memory_space<hbm>>
        %dma_start3A_257 = arith.constant 0 : i32
        %dma_start3A_258 = tpu.memref_slice %arg2[%run_scoped3A_41, %add3A_40, %dma_start3A_257] : memref<2x3200x100xi32, #tpu.memory_space<hbm>> -> memref<1x25x100xi32, #tpu.memory_space<hbm>>
        %dma_start3A_259 = tpu.memref_squeeze %dma_start3A_258 : memref<1x25x100xi32, #tpu.memory_space<hbm>> -> memref<25x100xi32, #tpu.memory_space<hbm>>
        tpu.enqueue_dma source(%dma_start3A_259 : memref<25x100xi32, #tpu.memory_space<hbm>>) target(%arg8 : memref<25x100xi32, #tpu.memory_space<vmem>>) target_semaphore(%run_scoped3A_253 : memref<!tpu.dma_semaphore, #tpu.memory_space<semaphore_mem>>)
        %dma_wait3A_260 = arith.constant 0 : i32
        %dma_wait3A_261 = tpu.memref_slice %arg2[%run_scoped3A_41, %add3A_40, %dma_wait3A_260] : memref<2x3200x100xi32, #tpu.memory_space<hbm>> -> memref<1x25x100xi32, #tpu.memory_space<hbm>>
        %dma_wait3A_262 = tpu.memref_squeeze %dma_wait3A_261 : memref<1x25x100xi32, #tpu.memory_space<hbm>> -> memref<25x100xi32, #tpu.memory_space<hbm>>
        %dma_wait3A_263 = arith.constant 0 : i32
        %dma_wait3A_264 = tpu.memref_slice %arg2[%run_scoped3A_41, %add3A_40, %dma_wait3A_263] : memref<2x3200x100xi32, #tpu.memory_space<hbm>> -> memref<1x25x100xi32, #tpu.memory_space<hbm>>
        %dma_wait3A_265 = tpu.memref_squeeze %dma_wait3A_264 : memref<1x25x100xi32, #tpu.memory_space<hbm>> -> memref<25x100xi32, #tpu.memory_space<hbm>>
        tpu.wait_dma2 semaphore(%run_scoped3A_253 : memref<!tpu.dma_semaphore, #tpu.memory_space<semaphore_mem>>) src(%dma_wait3A_265 : memref<25x100xi32, #tpu.memory_space<hbm>>) dst(%arg8 : memref<25x100xi32, #tpu.memory_space<vmem>>)
        tpu.yield
      }) : () -> ()
      %dma_start3A = arith.constant 0 : i32
      %dma_start3A_42 = arith.constant 0 : i32
      %dma_start3A_43 = tpu.memref_slice %arg7[%dma_start3A, %dma_start3A_42] : memref<25x100xi32, #tpu.memory_space<vmem>> -> memref<1x100xi32, #tpu.memory_space<vmem>>
      %dma_start3A_44 = tpu.memref_squeeze %dma_start3A_43 : memref<1x100xi32, #tpu.memory_space<vmem>> -> memref<100xi32, #tpu.memory_space<vmem>>
      %dma_start3A_45 = arith.constant 0 : i32
      %dma_start3A_46 = arith.constant 0 : i32
      %dma_start3A_47 = tpu.memref_slice %arg3[%dma_start3A_45, %dma_start3A_46] : memref<10240x128xf32, #tpu.memory_space<hbm>> -> memref<10240x128xf32, #tpu.memory_space<hbm>>
      tpu.enqueue_indirect_dma source(%dma_start3A_47 : memref<10240x128xf32, #tpu.memory_space<hbm>>) target(%arg9 : memref<100x128xf32, #tpu.memory_space<vmem>>) offsets(%dma_start3A_44 : memref<100xi32, #tpu.memory_space<vmem>>) semaphore(%arg16 : memref<!tpu.dma_semaphore, #tpu.memory_space<semaphore_mem>>)
      %dma_start3A_48 = arith.constant 0 : i32
      %dma_start3A_49 = arith.constant 0 : i32
      %dma_start3A_50 = tpu.memref_slice %arg7[%dma_start3A_48, %dma_start3A_49] : memref<25x100xi32, #tpu.memory_space<vmem>> -> memref<1x100xi32, #tpu.memory_space<vmem>>
      %dma_start3A_51 = tpu.memref_squeeze %dma_start3A_50 : memref<1x100xi32, #tpu.memory_space<vmem>> -> memref<100xi32, #tpu.memory_space<vmem>>
      %dma_start3A_52 = arith.constant 0 : i32
      %dma_start3A_53 = tpu.memref_slice %arg4[%dma_start3A_52] : memref<10240xf32, #tpu.memory_space<hbm>> -> memref<10240xf32, #tpu.memory_space<hbm>>
      tpu.enqueue_indirect_dma source(%dma_start3A_53 : memref<10240xf32, #tpu.memory_space<hbm>>) target(%arg12 : memref<100xf32, #tpu.memory_space<vmem>>) offsets(%dma_start3A_51 : memref<100xi32, #tpu.memory_space<vmem>>) semaphore(%arg22 : memref<!tpu.dma_semaphore, #tpu.memory_space<semaphore_mem>>)
      %dma_start3A_54 = arith.constant 1 : i32
      %dma_start3A_55 = arith.constant 0 : i32
      %dma_start3A_56 = tpu.memref_slice %arg7[%dma_start3A_54, %dma_start3A_55] : memref<25x100xi32, #tpu.memory_space<vmem>> -> memref<1x100xi32, #tpu.memory_space<vmem>>
      %dma_start3A_57 = tpu.memref_squeeze %dma_start3A_56 : memref<1x100xi32, #tpu.memory_space<vmem>> -> memref<100xi32, #tpu.memory_space<vmem>>
      %dma_start3A_58 = arith.constant 0 : i32
      %dma_start3A_59 = arith.constant 0 : i32
      %dma_start3A_60 = tpu.memref_slice %arg3[%dma_start3A_58, %dma_start3A_59] : memref<10240x128xf32, #tpu.memory_space<hbm>> -> memref<10240x128xf32, #tpu.memory_space<hbm>>
      tpu.enqueue_indirect_dma source(%dma_start3A_60 : memref<10240x128xf32, #tpu.memory_space<hbm>>) target(%arg10 : memref<100x128xf32, #tpu.memory_space<vmem>>) offsets(%dma_start3A_57 : memref<100xi32, #tpu.memory_space<vmem>>) semaphore(%arg17 : memref<!tpu.dma_semaphore, #tpu.memory_space<semaphore_mem>>)
      %dma_start3A_61 = arith.constant 1 : i32
      %dma_start3A_62 = arith.constant 0 : i32
      %dma_start3A_63 = tpu.memref_slice %arg7[%dma_start3A_61, %dma_start3A_62] : memref<25x100xi32, #tpu.memory_space<vmem>> -> memref<1x100xi32, #tpu.memory_space<vmem>>
      %dma_start3A_64 = tpu.memref_squeeze %dma_start3A_63 : memref<1x100xi32, #tpu.memory_space<vmem>> -> memref<100xi32, #tpu.memory_space<vmem>>
      %dma_start3A_65 = arith.constant 0 : i32
      %dma_start3A_66 = tpu.memref_slice %arg4[%dma_start3A_65] : memref<10240xf32, #tpu.memory_space<hbm>> -> memref<10240xf32, #tpu.memory_space<hbm>>
      tpu.enqueue_indirect_dma source(%dma_start3A_66 : memref<10240xf32, #tpu.memory_space<hbm>>) target(%arg13 : memref<100xf32, #tpu.memory_space<vmem>>) offsets(%dma_start3A_64 : memref<100xi32, #tpu.memory_space<vmem>>) semaphore(%arg23 : memref<!tpu.dma_semaphore, #tpu.memory_space<semaphore_mem>>)
      %dma_start3A_67 = arith.constant 2 : i32
      %dma_start3A_68 = arith.constant 0 : i32
      %dma_start3A_69 = tpu.memref_slice %arg7[%dma_start3A_67, %dma_start3A_68] : memref<25x100xi32, #tpu.memory_space<vmem>> -> memref<1x100xi32, #tpu.memory_space<vmem>>
      %dma_start3A_70 = tpu.memref_squeeze %dma_start3A_69 : memref<1x100xi32, #tpu.memory_space<vmem>> -> memref<100xi32, #tpu.memory_space<vmem>>
      %dma_start3A_71 = arith.constant 0 : i32
      %dma_start3A_72 = arith.constant 0 : i32
      %dma_start3A_73 = tpu.memref_slice %arg3[%dma_start3A_71, %dma_start3A_72] : memref<10240x128xf32, #tpu.memory_space<hbm>> -> memref<10240x128xf32, #tpu.memory_space<hbm>>
      tpu.enqueue_indirect_dma source(%dma_start3A_73 : memref<10240x128xf32, #tpu.memory_space<hbm>>) target(%arg11 : memref<100x128xf32, #tpu.memory_space<vmem>>) offsets(%dma_start3A_70 : memref<100xi32, #tpu.memory_space<vmem>>) semaphore(%arg18 : memref<!tpu.dma_semaphore, #tpu.memory_space<semaphore_mem>>)
      %dma_start3A_74 = arith.constant 2 : i32
      %dma_start3A_75 = arith.constant 0 : i32
      %dma_start3A_76 = tpu.memref_slice %arg7[%dma_start3A_74, %dma_start3A_75] : memref<25x100xi32, #tpu.memory_space<vmem>> -> memref<1x100xi32, #tpu.memory_space<vmem>>
      %dma_start3A_77 = tpu.memref_squeeze %dma_start3A_76 : memref<1x100xi32, #tpu.memory_space<vmem>> -> memref<100xi32, #tpu.memory_space<vmem>>
      %dma_start3A_78 = arith.constant 0 : i32
      %dma_start3A_79 = tpu.memref_slice %arg4[%dma_start3A_78] : memref<10240xf32, #tpu.memory_space<hbm>> -> memref<10240xf32, #tpu.memory_space<hbm>>
      tpu.enqueue_indirect_dma source(%dma_start3A_79 : memref<10240xf32, #tpu.memory_space<hbm>>) target(%arg14 : memref<100xf32, #tpu.memory_space<vmem>>) offsets(%dma_start3A_77 : memref<100xi32, #tpu.memory_space<vmem>>) semaphore(%arg24 : memref<!tpu.dma_semaphore, #tpu.memory_space<semaphore_mem>>)
      %scan3A_80 = arith.constant 0 : i32
      %scan3A_81 = arith.constant 7 : i32
      %scan3A_82 = arith.addi %scan3A_80, %scan3A_81 : i32
      %scan3A_83 = arith.constant 1 : i32
      scf.for %scan3A_253 = %scan3A_80 to %scan3A_82 step %scan3A_83  : i32 {
        %mul3A_254 = arith.constant 3 : i32
        %mul3A_255 = arith.muli %scan3A_253, %mul3A_254 : i32
        %add3A_256 = arith.constant 0 : i32
        %add3A_257 = arith.addi %add3A_256, %mul3A_255 : i32
        %add3A_258 = arith.constant 0 : i32
        %add3A_259 = arith.addi %add3A_257, %add3A_258 : i32
        %dma_wait3A_260 = arith.constant 0 : i32
        %dma_wait3A_261 = tpu.memref_slice %arg7[%add3A_259, %dma_wait3A_260] : memref<25x100xi32, #tpu.memory_space<vmem>> -> memref<1x100xi32, #tpu.memory_space<vmem>>
        %dma_wait3A_262 = tpu.memref_squeeze %dma_wait3A_261 : memref<1x100xi32, #tpu.memory_space<vmem>> -> memref<100xi32, #tpu.memory_space<vmem>>
        %dma_wait3A_263 = arith.constant 0 : i32
        %dma_wait3A_264 = arith.constant 0 : i32
        %dma_wait3A_265 = tpu.memref_slice %arg3[%dma_wait3A_263, %dma_wait3A_264] : memref<10240x128xf32, #tpu.memory_space<hbm>> -> memref<10240x128xf32, #tpu.memory_space<hbm>>
        tpu.wait_indirect_dma semaphore(%arg16 : memref<!tpu.dma_semaphore, #tpu.memory_space<semaphore_mem>>) src(%dma_wait3A_265 : memref<10240x128xf32, #tpu.memory_space<hbm>>) dst(%arg9 : memref<100x128xf32, #tpu.memory_space<vmem>>)
        %dma_start3A_266 = arith.constant 0 : i32
        %dma_start3A_267 = tpu.memref_slice %arg8[%add3A_259, %dma_start3A_266] : memref<25x100xi32, #tpu.memory_space<vmem>> -> memref<1x100xi32, #tpu.memory_space<vmem>>
        %dma_start3A_268 = tpu.memref_squeeze %dma_start3A_267 : memref<1x100xi32, #tpu.memory_space<vmem>> -> memref<100xi32, #tpu.memory_space<vmem>>
        %dma_start3A_269 = arith.constant 0 : i32
        %dma_start3A_270 = arith.constant 0 : i32
        %dma_start3A_271 = tpu.memref_slice %arg28[%dma_start3A_269, %dma_start3A_270] : memref<10240x128xf32, #tpu.memory_space<vmem_shared>> -> memref<10240x128xf32, #tpu.memory_space<vmem_shared>>
        tpu.enqueue_indirect_dma source(%arg9 : memref<100x128xf32, #tpu.memory_space<vmem>>) target(%dma_start3A_271 : memref<10240x128xf32, #tpu.memory_space<vmem_shared>>) offsets(%dma_start3A_268 : memref<100xi32, #tpu.memory_space<vmem>>) semaphore(%arg19 : memref<!tpu.dma_semaphore, #tpu.memory_space<semaphore_mem>>) {add = true}
        %dma_wait3A_272 = arith.constant 0 : i32
        %dma_wait3A_273 = tpu.memref_slice %arg7[%add3A_259, %dma_wait3A_272] : memref<25x100xi32, #tpu.memory_space<vmem>> -> memref<1x100xi32, #tpu.memory_space<vmem>>
        %dma_wait3A_274 = tpu.memref_squeeze %dma_wait3A_273 : memref<1x100xi32, #tpu.memory_space<vmem>> -> memref<100xi32, #tpu.memory_space<vmem>>
        %dma_wait3A_275 = arith.constant 0 : i32
        %dma_wait3A_276 = tpu.memref_slice %arg4[%dma_wait3A_275] : memref<10240xf32, #tpu.memory_space<hbm>> -> memref<10240xf32, #tpu.memory_space<hbm>>
        tpu.wait_indirect_dma semaphore(%arg22 : memref<!tpu.dma_semaphore, #tpu.memory_space<semaphore_mem>>) src(%dma_wait3A_276 : memref<10240xf32, #tpu.memory_space<hbm>>) dst(%arg12 : memref<100xf32, #tpu.memory_space<vmem>>)
        %dma_start3A_277 = arith.constant 0 : i32
        %dma_start3A_278 = tpu.memref_slice %arg8[%add3A_259, %dma_start3A_277] : memref<25x100xi32, #tpu.memory_space<vmem>> -> memref<1x100xi32, #tpu.memory_space<vmem>>
        %dma_start3A_279 = tpu.memref_squeeze %dma_start3A_278 : memref<1x100xi32, #tpu.memory_space<vmem>> -> memref<100xi32, #tpu.memory_space<vmem>>
        %dma_start3A_280 = arith.constant 0 : i32
        %dma_start3A_281 = tpu.memref_slice %arg29[%dma_start3A_280] : memref<10240xf32, #tpu.memory_space<vmem_shared>> -> memref<10240xf32, #tpu.memory_space<vmem_shared>>
        tpu.enqueue_indirect_dma source(%arg12 : memref<100xf32, #tpu.memory_space<vmem>>) target(%dma_start3A_281 : memref<10240xf32, #tpu.memory_space<vmem_shared>>) offsets(%dma_start3A_279 : memref<100xi32, #tpu.memory_space<vmem>>) semaphore(%arg25 : memref<!tpu.dma_semaphore, #tpu.memory_space<semaphore_mem>>) {add = true}
        %dma_wait3A_282 = arith.constant 0 : i32
        %dma_wait3A_283 = tpu.memref_slice %arg8[%add3A_259, %dma_wait3A_282] : memref<25x100xi32, #tpu.memory_space<vmem>> -> memref<1x100xi32, #tpu.memory_space<vmem>>
        %dma_wait3A_284 = tpu.memref_squeeze %dma_wait3A_283 : memref<1x100xi32, #tpu.memory_space<vmem>> -> memref<100xi32, #tpu.memory_space<vmem>>
        %dma_wait3A_285 = arith.constant 0 : i32
        %dma_wait3A_286 = arith.constant 0 : i32
        %dma_wait3A_287 = tpu.memref_slice %arg28[%dma_wait3A_285, %dma_wait3A_286] : memref<10240x128xf32, #tpu.memory_space<vmem_shared>> -> memref<10240x128xf32, #tpu.memory_space<vmem_shared>>
        tpu.wait_indirect_dma semaphore(%arg19 : memref<!tpu.dma_semaphore, #tpu.memory_space<semaphore_mem>>) src(%arg9 : memref<100x128xf32, #tpu.memory_space<vmem>>) dst(%dma_wait3A_287 : memref<10240x128xf32, #tpu.memory_space<vmem_shared>>)
        %dma_wait3A_288 = arith.constant 0 : i32
        %dma_wait3A_289 = tpu.memref_slice %arg8[%add3A_259, %dma_wait3A_288] : memref<25x100xi32, #tpu.memory_space<vmem>> -> memref<1x100xi32, #tpu.memory_space<vmem>>
        %dma_wait3A_290 = tpu.memref_squeeze %dma_wait3A_289 : memref<1x100xi32, #tpu.memory_space<vmem>> -> memref<100xi32, #tpu.memory_space<vmem>>
        %dma_wait3A_291 = arith.constant 0 : i32
        %dma_wait3A_292 = tpu.memref_slice %arg29[%dma_wait3A_291] : memref<10240xf32, #tpu.memory_space<vmem_shared>> -> memref<10240xf32, #tpu.memory_space<vmem_shared>>
        tpu.wait_indirect_dma semaphore(%arg25 : memref<!tpu.dma_semaphore, #tpu.memory_space<semaphore_mem>>) src(%arg12 : memref<100xf32, #tpu.memory_space<vmem>>) dst(%dma_wait3A_292 : memref<10240xf32, #tpu.memory_space<vmem_shared>>)
        %add3A_293 = arith.constant 3 : i32
        %add3A_294 = arith.addi %add3A_259, %add3A_293 : i32
        %dma_start3A_295 = arith.constant 0 : i32
        %dma_start3A_296 = tpu.memref_slice %arg7[%add3A_294, %dma_start3A_295] : memref<25x100xi32, #tpu.memory_space<vmem>> -> memref<1x100xi32, #tpu.memory_space<vmem>>
        %dma_start3A_297 = tpu.memref_squeeze %dma_start3A_296 : memref<1x100xi32, #tpu.memory_space<vmem>> -> memref<100xi32, #tpu.memory_space<vmem>>
        %dma_start3A_298 = arith.constant 0 : i32
        %dma_start3A_299 = arith.constant 0 : i32
        %dma_start3A_300 = tpu.memref_slice %arg3[%dma_start3A_298, %dma_start3A_299] : memref<10240x128xf32, #tpu.memory_space<hbm>> -> memref<10240x128xf32, #tpu.memory_space<hbm>>
        tpu.enqueue_indirect_dma source(%dma_start3A_300 : memref<10240x128xf32, #tpu.memory_space<hbm>>) target(%arg9 : memref<100x128xf32, #tpu.memory_space<vmem>>) offsets(%dma_start3A_297 : memref<100xi32, #tpu.memory_space<vmem>>) semaphore(%arg16 : memref<!tpu.dma_semaphore, #tpu.memory_space<semaphore_mem>>)
        %dma_start3A_301 = arith.constant 0 : i32
        %dma_start3A_302 = tpu.memref_slice %arg7[%add3A_294, %dma_start3A_301] : memref<25x100xi32, #tpu.memory_space<vmem>> -> memref<1x100xi32, #tpu.memory_space<vmem>>
        %dma_start3A_303 = tpu.memref_squeeze %dma_start3A_302 : memref<1x100xi32, #tpu.memory_space<vmem>> -> memref<100xi32, #tpu.memory_space<vmem>>
        %dma_start3A_304 = arith.constant 0 : i32
        %dma_start3A_305 = tpu.memref_slice %arg4[%dma_start3A_304] : memref<10240xf32, #tpu.memory_space<hbm>> -> memref<10240xf32, #tpu.memory_space<hbm>>
        tpu.enqueue_indirect_dma source(%dma_start3A_305 : memref<10240xf32, #tpu.memory_space<hbm>>) target(%arg12 : memref<100xf32, #tpu.memory_space<vmem>>) offsets(%dma_start3A_303 : memref<100xi32, #tpu.memory_space<vmem>>) semaphore(%arg22 : memref<!tpu.dma_semaphore, #tpu.memory_space<semaphore_mem>>)
        %add3A_306 = arith.constant 1 : i32
        %add3A_307 = arith.addi %add3A_257, %add3A_306 : i32
        %dma_wait3A_308 = arith.constant 0 : i32
        %dma_wait3A_309 = tpu.memref_slice %arg7[%add3A_307, %dma_wait3A_308] : memref<25x100xi32, #tpu.memory_space<vmem>> -> memref<1x100xi32, #tpu.memory_space<vmem>>
        %dma_wait3A_310 = tpu.memref_squeeze %dma_wait3A_309 : memref<1x100xi32, #tpu.memory_space<vmem>> -> memref<100xi32, #tpu.memory_space<vmem>>
        %dma_wait3A_311 = arith.constant 0 : i32
        %dma_wait3A_312 = arith.constant 0 : i32
        %dma_wait3A_313 = tpu.memref_slice %arg3[%dma_wait3A_311, %dma_wait3A_312] : memref<10240x128xf32, #tpu.memory_space<hbm>> -> memref<10240x128xf32, #tpu.memory_space<hbm>>
        tpu.wait_indirect_dma semaphore(%arg17 : memref<!tpu.dma_semaphore, #tpu.memory_space<semaphore_mem>>) src(%dma_wait3A_313 : memref<10240x128xf32, #tpu.memory_space<hbm>>) dst(%arg10 : memref<100x128xf32, #tpu.memory_space<vmem>>)
        %dma_start3A_314 = arith.constant 0 : i32
        %dma_start3A_315 = tpu.memref_slice %arg8[%add3A_307, %dma_start3A_314] : memref<25x100xi32, #tpu.memory_space<vmem>> -> memref<1x100xi32, #tpu.memory_space<vmem>>
        %dma_start3A_316 = tpu.memref_squeeze %dma_start3A_315 : memref<1x100xi32, #tpu.memory_space<vmem>> -> memref<100xi32, #tpu.memory_space<vmem>>
        %dma_start3A_317 = arith.constant 0 : i32
        %dma_start3A_318 = arith.constant 0 : i32
        %dma_start3A_319 = tpu.memref_slice %arg28[%dma_start3A_317, %dma_start3A_318] : memref<10240x128xf32, #tpu.memory_space<vmem_shared>> -> memref<10240x128xf32, #tpu.memory_space<vmem_shared>>
        tpu.enqueue_indirect_dma source(%arg10 : memref<100x128xf32, #tpu.memory_space<vmem>>) target(%dma_start3A_319 : memref<10240x128xf32, #tpu.memory_space<vmem_shared>>) offsets(%dma_start3A_316 : memref<100xi32, #tpu.memory_space<vmem>>) semaphore(%arg20 : memref<!tpu.dma_semaphore, #tpu.memory_space<semaphore_mem>>) {add = true}
        %dma_wait3A_320 = arith.constant 0 : i32
        %dma_wait3A_321 = tpu.memref_slice %arg7[%add3A_307, %dma_wait3A_320] : memref<25x100xi32, #tpu.memory_space<vmem>> -> memref<1x100xi32, #tpu.memory_space<vmem>>
        %dma_wait3A_322 = tpu.memref_squeeze %dma_wait3A_321 : memref<1x100xi32, #tpu.memory_space<vmem>> -> memref<100xi32, #tpu.memory_space<vmem>>
        %dma_wait3A_323 = arith.constant 0 : i32
        %dma_wait3A_324 = tpu.memref_slice %arg4[%dma_wait3A_323] : memref<10240xf32, #tpu.memory_space<hbm>> -> memref<10240xf32, #tpu.memory_space<hbm>>
        tpu.wait_indirect_dma semaphore(%arg23 : memref<!tpu.dma_semaphore, #tpu.memory_space<semaphore_mem>>) src(%dma_wait3A_324 : memref<10240xf32, #tpu.memory_space<hbm>>) dst(%arg13 : memref<100xf32, #tpu.memory_space<vmem>>)
        %dma_start3A_325 = arith.constant 0 : i32
        %dma_start3A_326 = tpu.memref_slice %arg8[%add3A_307, %dma_start3A_325] : memref<25x100xi32, #tpu.memory_space<vmem>> -> memref<1x100xi32, #tpu.memory_space<vmem>>
        %dma_start3A_327 = tpu.memref_squeeze %dma_start3A_326 : memref<1x100xi32, #tpu.memory_space<vmem>> -> memref<100xi32, #tpu.memory_space<vmem>>
        %dma_start3A_328 = arith.constant 0 : i32
        %dma_start3A_329 = tpu.memref_slice %arg29[%dma_start3A_328] : memref<10240xf32, #tpu.memory_space<vmem_shared>> -> memref<10240xf32, #tpu.memory_space<vmem_shared>>
        tpu.enqueue_indirect_dma source(%arg13 : memref<100xf32, #tpu.memory_space<vmem>>) target(%dma_start3A_329 : memref<10240xf32, #tpu.memory_space<vmem_shared>>) offsets(%dma_start3A_327 : memref<100xi32, #tpu.memory_space<vmem>>) semaphore(%arg26 : memref<!tpu.dma_semaphore, #tpu.memory_space<semaphore_mem>>) {add = true}
        %dma_wait3A_330 = arith.constant 0 : i32
        %dma_wait3A_331 = tpu.memref_slice %arg8[%add3A_307, %dma_wait3A_330] : memref<25x100xi32, #tpu.memory_space<vmem>> -> memref<1x100xi32, #tpu.memory_space<vmem>>
        %dma_wait3A_332 = tpu.memref_squeeze %dma_wait3A_331 : memref<1x100xi32, #tpu.memory_space<vmem>> -> memref<100xi32, #tpu.memory_space<vmem>>
        %dma_wait3A_333 = arith.constant 0 : i32
        %dma_wait3A_334 = arith.constant 0 : i32
        %dma_wait3A_335 = tpu.memref_slice %arg28[%dma_wait3A_333, %dma_wait3A_334] : memref<10240x128xf32, #tpu.memory_space<vmem_shared>> -> memref<10240x128xf32, #tpu.memory_space<vmem_shared>>
        tpu.wait_indirect_dma semaphore(%arg20 : memref<!tpu.dma_semaphore, #tpu.memory_space<semaphore_mem>>) src(%arg10 : memref<100x128xf32, #tpu.memory_space<vmem>>) dst(%dma_wait3A_335 : memref<10240x128xf32, #tpu.memory_space<vmem_shared>>)
        %dma_wait3A_336 = arith.constant 0 : i32
        %dma_wait3A_337 = tpu.memref_slice %arg8[%add3A_307, %dma_wait3A_336] : memref<25x100xi32, #tpu.memory_space<vmem>> -> memref<1x100xi32, #tpu.memory_space<vmem>>
        %dma_wait3A_338 = tpu.memref_squeeze %dma_wait3A_337 : memref<1x100xi32, #tpu.memory_space<vmem>> -> memref<100xi32, #tpu.memory_space<vmem>>
        %dma_wait3A_339 = arith.constant 0 : i32
        %dma_wait3A_340 = tpu.memref_slice %arg29[%dma_wait3A_339] : memref<10240xf32, #tpu.memory_space<vmem_shared>> -> memref<10240xf32, #tpu.memory_space<vmem_shared>>
        tpu.wait_indirect_dma semaphore(%arg26 : memref<!tpu.dma_semaphore, #tpu.memory_space<semaphore_mem>>) src(%arg13 : memref<100xf32, #tpu.memory_space<vmem>>) dst(%dma_wait3A_340 : memref<10240xf32, #tpu.memory_space<vmem_shared>>)
        %add3A_341 = arith.constant 3 : i32
        %add3A_342 = arith.addi %add3A_307, %add3A_341 : i32
        %dma_start3A_343 = arith.constant 0 : i32
        %dma_start3A_344 = tpu.memref_slice %arg7[%add3A_342, %dma_start3A_343] : memref<25x100xi32, #tpu.memory_space<vmem>> -> memref<1x100xi32, #tpu.memory_space<vmem>>
        %dma_start3A_345 = tpu.memref_squeeze %dma_start3A_344 : memref<1x100xi32, #tpu.memory_space<vmem>> -> memref<100xi32, #tpu.memory_space<vmem>>
        %dma_start3A_346 = arith.constant 0 : i32
        %dma_start3A_347 = arith.constant 0 : i32
        %dma_start3A_348 = tpu.memref_slice %arg3[%dma_start3A_346, %dma_start3A_347] : memref<10240x128xf32, #tpu.memory_space<hbm>> -> memref<10240x128xf32, #tpu.memory_space<hbm>>
        tpu.enqueue_indirect_dma source(%dma_start3A_348 : memref<10240x128xf32, #tpu.memory_space<hbm>>) target(%arg10 : memref<100x128xf32, #tpu.memory_space<vmem>>) offsets(%dma_start3A_345 : memref<100xi32, #tpu.memory_space<vmem>>) semaphore(%arg17 : memref<!tpu.dma_semaphore, #tpu.memory_space<semaphore_mem>>)
        %dma_start3A_349 = arith.constant 0 : i32
        %dma_start3A_350 = tpu.memref_slice %arg7[%add3A_342, %dma_start3A_349] : memref<25x100xi32, #tpu.memory_space<vmem>> -> memref<1x100xi32, #tpu.memory_space<vmem>>
        %dma_start3A_351 = tpu.memref_squeeze %dma_start3A_350 : memref<1x100xi32, #tpu.memory_space<vmem>> -> memref<100xi32, #tpu.memory_space<vmem>>
        %dma_start3A_352 = arith.constant 0 : i32
        %dma_start3A_353 = tpu.memref_slice %arg4[%dma_start3A_352] : memref<10240xf32, #tpu.memory_space<hbm>> -> memref<10240xf32, #tpu.memory_space<hbm>>
        tpu.enqueue_indirect_dma source(%dma_start3A_353 : memref<10240xf32, #tpu.memory_space<hbm>>) target(%arg13 : memref<100xf32, #tpu.memory_space<vmem>>) offsets(%dma_start3A_351 : memref<100xi32, #tpu.memory_space<vmem>>) semaphore(%arg23 : memref<!tpu.dma_semaphore, #tpu.memory_space<semaphore_mem>>)
        %add3A_354 = arith.constant 2 : i32
        %add3A_355 = arith.addi %add3A_257, %add3A_354 : i32
        %dma_wait3A_356 = arith.constant 0 : i32
        %dma_wait3A_357 = tpu.memref_slice %arg7[%add3A_355, %dma_wait3A_356] : memref<25x100xi32, #tpu.memory_space<vmem>> -> memref<1x100xi32, #tpu.memory_space<vmem>>
        %dma_wait3A_358 = tpu.memref_squeeze %dma_wait3A_357 : memref<1x100xi32, #tpu.memory_space<vmem>> -> memref<100xi32, #tpu.memory_space<vmem>>
        %dma_wait3A_359 = arith.constant 0 : i32
        %dma_wait3A_360 = arith.constant 0 : i32
        %dma_wait3A_361 = tpu.memref_slice %arg3[%dma_wait3A_359, %dma_wait3A_360] : memref<10240x128xf32, #tpu.memory_space<hbm>> -> memref<10240x128xf32, #tpu.memory_space<hbm>>
        tpu.wait_indirect_dma semaphore(%arg18 : memref<!tpu.dma_semaphore, #tpu.memory_space<semaphore_mem>>) src(%dma_wait3A_361 : memref<10240x128xf32, #tpu.memory_space<hbm>>) dst(%arg11 : memref<100x128xf32, #tpu.memory_space<vmem>>)
        %dma_start3A_362 = arith.constant 0 : i32
        %dma_start3A_363 = tpu.memref_slice %arg8[%add3A_355, %dma_start3A_362] : memref<25x100xi32, #tpu.memory_space<vmem>> -> memref<1x100xi32, #tpu.memory_space<vmem>>
        %dma_start3A_364 = tpu.memref_squeeze %dma_start3A_363 : memref<1x100xi32, #tpu.memory_space<vmem>> -> memref<100xi32, #tpu.memory_space<vmem>>
        %dma_start3A_365 = arith.constant 0 : i32
        %dma_start3A_366 = arith.constant 0 : i32
        %dma_start3A_367 = tpu.memref_slice %arg28[%dma_start3A_365, %dma_start3A_366] : memref<10240x128xf32, #tpu.memory_space<vmem_shared>> -> memref<10240x128xf32, #tpu.memory_space<vmem_shared>>
        tpu.enqueue_indirect_dma source(%arg11 : memref<100x128xf32, #tpu.memory_space<vmem>>) target(%dma_start3A_367 : memref<10240x128xf32, #tpu.memory_space<vmem_shared>>) offsets(%dma_start3A_364 : memref<100xi32, #tpu.memory_space<vmem>>) semaphore(%arg21 : memref<!tpu.dma_semaphore, #tpu.memory_space<semaphore_mem>>) {add = true}
        %dma_wait3A_368 = arith.constant 0 : i32
        %dma_wait3A_369 = tpu.memref_slice %arg7[%add3A_355, %dma_wait3A_368] : memref<25x100xi32, #tpu.memory_space<vmem>> -> memref<1x100xi32, #tpu.memory_space<vmem>>
        %dma_wait3A_370 = tpu.memref_squeeze %dma_wait3A_369 : memref<1x100xi32, #tpu.memory_space<vmem>> -> memref<100xi32, #tpu.memory_space<vmem>>
        %dma_wait3A_371 = arith.constant 0 : i32
        %dma_wait3A_372 = tpu.memref_slice %arg4[%dma_wait3A_371] : memref<10240xf32, #tpu.memory_space<hbm>> -> memref<10240xf32, #tpu.memory_space<hbm>>
        tpu.wait_indirect_dma semaphore(%arg24 : memref<!tpu.dma_semaphore, #tpu.memory_space<semaphore_mem>>) src(%dma_wait3A_372 : memref<10240xf32, #tpu.memory_space<hbm>>) dst(%arg14 : memref<100xf32, #tpu.memory_space<vmem>>)
        %dma_start3A_373 = arith.constant 0 : i32
        %dma_start3A_374 = tpu.memref_slice %arg8[%add3A_355, %dma_start3A_373] : memref<25x100xi32, #tpu.memory_space<vmem>> -> memref<1x100xi32, #tpu.memory_space<vmem>>
        %dma_start3A_375 = tpu.memref_squeeze %dma_start3A_374 : memref<1x100xi32, #tpu.memory_space<vmem>> -> memref<100xi32, #tpu.memory_space<vmem>>
        %dma_start3A_376 = arith.constant 0 : i32
        %dma_start3A_377 = tpu.memref_slice %arg29[%dma_start3A_376] : memref<10240xf32, #tpu.memory_space<vmem_shared>> -> memref<10240xf32, #tpu.memory_space<vmem_shared>>
        tpu.enqueue_indirect_dma source(%arg14 : memref<100xf32, #tpu.memory_space<vmem>>) target(%dma_start3A_377 : memref<10240xf32, #tpu.memory_space<vmem_shared>>) offsets(%dma_start3A_375 : memref<100xi32, #tpu.memory_space<vmem>>) semaphore(%arg27 : memref<!tpu.dma_semaphore, #tpu.memory_space<semaphore_mem>>) {add = true}
        %dma_wait3A_378 = arith.constant 0 : i32
        %dma_wait3A_379 = tpu.memref_slice %arg8[%add3A_355, %dma_wait3A_378] : memref<25x100xi32, #tpu.memory_space<vmem>> -> memref<1x100xi32, #tpu.memory_space<vmem>>
        %dma_wait3A_380 = tpu.memref_squeeze %dma_wait3A_379 : memref<1x100xi32, #tpu.memory_space<vmem>> -> memref<100xi32, #tpu.memory_space<vmem>>
        %dma_wait3A_381 = arith.constant 0 : i32
        %dma_wait3A_382 = arith.constant 0 : i32
        %dma_wait3A_383 = tpu.memref_slice %arg28[%dma_wait3A_381, %dma_wait3A_382] : memref<10240x128xf32, #tpu.memory_space<vmem_shared>> -> memref<10240x128xf32, #tpu.memory_space<vmem_shared>>
        tpu.wait_indirect_dma semaphore(%arg21 : memref<!tpu.dma_semaphore, #tpu.memory_space<semaphore_mem>>) src(%arg11 : memref<100x128xf32, #tpu.memory_space<vmem>>) dst(%dma_wait3A_383 : memref<10240x128xf32, #tpu.memory_space<vmem_shared>>)
        %dma_wait3A_384 = arith.constant 0 : i32
        %dma_wait3A_385 = tpu.memref_slice %arg8[%add3A_355, %dma_wait3A_384] : memref<25x100xi32, #tpu.memory_space<vmem>> -> memref<1x100xi32, #tpu.memory_space<vmem>>
        %dma_wait3A_386 = tpu.memref_squeeze %dma_wait3A_385 : memref<1x100xi32, #tpu.memory_space<vmem>> -> memref<100xi32, #tpu.memory_space<vmem>>
        %dma_wait3A_387 = arith.constant 0 : i32
        %dma_wait3A_388 = tpu.memref_slice %arg29[%dma_wait3A_387] : memref<10240xf32, #tpu.memory_space<vmem_shared>> -> memref<10240xf32, #tpu.memory_space<vmem_shared>>
        tpu.wait_indirect_dma semaphore(%arg27 : memref<!tpu.dma_semaphore, #tpu.memory_space<semaphore_mem>>) src(%arg14 : memref<100xf32, #tpu.memory_space<vmem>>) dst(%dma_wait3A_388 : memref<10240xf32, #tpu.memory_space<vmem_shared>>)
        %add3A_389 = arith.constant 3 : i32
        %add3A_390 = arith.addi %add3A_355, %add3A_389 : i32
        %dma_start3A_391 = arith.constant 0 : i32
        %dma_start3A_392 = tpu.memref_slice %arg7[%add3A_390, %dma_start3A_391] : memref<25x100xi32, #tpu.memory_space<vmem>> -> memref<1x100xi32, #tpu.memory_space<vmem>>
        %dma_start3A_393 = tpu.memref_squeeze %dma_start3A_392 : memref<1x100xi32, #tpu.memory_space<vmem>> -> memref<100xi32, #tpu.memory_space<vmem>>
        %dma_start3A_394 = arith.constant 0 : i32
        %dma_start3A_395 = arith.constant 0 : i32
        %dma_start3A_396 = tpu.memref_slice %arg3[%dma_start3A_394, %dma_start3A_395] : memref<10240x128xf32, #tpu.memory_space<hbm>> -> memref<10240x128xf32, #tpu.memory_space<hbm>>
        tpu.enqueue_indirect_dma source(%dma_start3A_396 : memref<10240x128xf32, #tpu.memory_space<hbm>>) target(%arg11 : memref<100x128xf32, #tpu.memory_space<vmem>>) offsets(%dma_start3A_393 : memref<100xi32, #tpu.memory_space<vmem>>) semaphore(%arg18 : memref<!tpu.dma_semaphore, #tpu.memory_space<semaphore_mem>>)
        %dma_start3A_397 = arith.constant 0 : i32
        %dma_start3A_398 = tpu.memref_slice %arg7[%add3A_390, %dma_start3A_397] : memref<25x100xi32, #tpu.memory_space<vmem>> -> memref<1x100xi32, #tpu.memory_space<vmem>>
        %dma_start3A_399 = tpu.memref_squeeze %dma_start3A_398 : memref<1x100xi32, #tpu.memory_space<vmem>> -> memref<100xi32, #tpu.memory_space<vmem>>
        %dma_start3A_400 = arith.constant 0 : i32
        %dma_start3A_401 = tpu.memref_slice %arg4[%dma_start3A_400] : memref<10240xf32, #tpu.memory_space<hbm>> -> memref<10240xf32, #tpu.memory_space<hbm>>
        tpu.enqueue_indirect_dma source(%dma_start3A_401 : memref<10240xf32, #tpu.memory_space<hbm>>) target(%arg14 : memref<100xf32, #tpu.memory_space<vmem>>) offsets(%dma_start3A_399 : memref<100xi32, #tpu.memory_space<vmem>>) semaphore(%arg24 : memref<!tpu.dma_semaphore, #tpu.memory_space<semaphore_mem>>)
      }
      %scan3A_84 = arith.constant 7 : i32
      %dma_wait3A = arith.constant 21 : i32
      %dma_wait3A_85 = arith.constant 0 : i32
      %dma_wait3A_86 = tpu.memref_slice %arg7[%dma_wait3A, %dma_wait3A_85] : memref<25x100xi32, #tpu.memory_space<vmem>> -> memref<1x100xi32, #tpu.memory_space<vmem>>
      %dma_wait3A_87 = tpu.memref_squeeze %dma_wait3A_86 : memref<1x100xi32, #tpu.memory_space<vmem>> -> memref<100xi32, #tpu.memory_space<vmem>>
      %dma_wait3A_88 = arith.constant 0 : i32
      %dma_wait3A_89 = arith.constant 0 : i32
      %dma_wait3A_90 = tpu.memref_slice %arg3[%dma_wait3A_88, %dma_wait3A_89] : memref<10240x128xf32, #tpu.memory_space<hbm>> -> memref<10240x128xf32, #tpu.memory_space<hbm>>
      tpu.wait_indirect_dma semaphore(%arg16 : memref<!tpu.dma_semaphore, #tpu.memory_space<semaphore_mem>>) src(%dma_wait3A_90 : memref<10240x128xf32, #tpu.memory_space<hbm>>) dst(%arg9 : memref<100x128xf32, #tpu.memory_space<vmem>>)
      %dma_start3A_91 = arith.constant 21 : i32
      %dma_start3A_92 = arith.constant 0 : i32
      %dma_start3A_93 = tpu.memref_slice %arg8[%dma_start3A_91, %dma_start3A_92] : memref<25x100xi32, #tpu.memory_space<vmem>> -> memref<1x100xi32, #tpu.memory_space<vmem>>
      %dma_start3A_94 = tpu.memref_squeeze %dma_start3A_93 : memref<1x100xi32, #tpu.memory_space<vmem>> -> memref<100xi32, #tpu.memory_space<vmem>>
      %dma_start3A_95 = arith.constant 0 : i32
      %dma_start3A_96 = arith.constant 0 : i32
      %dma_start3A_97 = tpu.memref_slice %arg28[%dma_start3A_95, %dma_start3A_96] : memref<10240x128xf32, #tpu.memory_space<vmem_shared>> -> memref<10240x128xf32, #tpu.memory_space<vmem_shared>>
      tpu.enqueue_indirect_dma source(%arg9 : memref<100x128xf32, #tpu.memory_space<vmem>>) target(%dma_start3A_97 : memref<10240x128xf32, #tpu.memory_space<vmem_shared>>) offsets(%dma_start3A_94 : memref<100xi32, #tpu.memory_space<vmem>>) semaphore(%arg19 : memref<!tpu.dma_semaphore, #tpu.memory_space<semaphore_mem>>) {add = true}
      %dma_wait3A_98 = arith.constant 21 : i32
      %dma_wait3A_99 = arith.constant 0 : i32
      %dma_wait3A_100 = tpu.memref_slice %arg7[%dma_wait3A_98, %dma_wait3A_99] : memref<25x100xi32, #tpu.memory_space<vmem>> -> memref<1x100xi32, #tpu.memory_space<vmem>>
      %dma_wait3A_101 = tpu.memref_squeeze %dma_wait3A_100 : memref<1x100xi32, #tpu.memory_space<vmem>> -> memref<100xi32, #tpu.memory_space<vmem>>
      %dma_wait3A_102 = arith.constant 0 : i32
      %dma_wait3A_103 = tpu.memref_slice %arg4[%dma_wait3A_102] : memref<10240xf32, #tpu.memory_space<hbm>> -> memref<10240xf32, #tpu.memory_space<hbm>>
      tpu.wait_indirect_dma semaphore(%arg22 : memref<!tpu.dma_semaphore, #tpu.memory_space<semaphore_mem>>) src(%dma_wait3A_103 : memref<10240xf32, #tpu.memory_space<hbm>>) dst(%arg12 : memref<100xf32, #tpu.memory_space<vmem>>)
      %dma_start3A_104 = arith.constant 21 : i32
      %dma_start3A_105 = arith.constant 0 : i32
      %dma_start3A_106 = tpu.memref_slice %arg8[%dma_start3A_104, %dma_start3A_105] : memref<25x100xi32, #tpu.memory_space<vmem>> -> memref<1x100xi32, #tpu.memory_space<vmem>>
      %dma_start3A_107 = tpu.memref_squeeze %dma_start3A_106 : memref<1x100xi32, #tpu.memory_space<vmem>> -> memref<100xi32, #tpu.memory_space<vmem>>
      %dma_start3A_108 = arith.constant 0 : i32
      %dma_start3A_109 = tpu.memref_slice %arg29[%dma_start3A_108] : memref<10240xf32, #tpu.memory_space<vmem_shared>> -> memref<10240xf32, #tpu.memory_space<vmem_shared>>
      tpu.enqueue_indirect_dma source(%arg12 : memref<100xf32, #tpu.memory_space<vmem>>) target(%dma_start3A_109 : memref<10240xf32, #tpu.memory_space<vmem_shared>>) offsets(%dma_start3A_107 : memref<100xi32, #tpu.memory_space<vmem>>) semaphore(%arg25 : memref<!tpu.dma_semaphore, #tpu.memory_space<semaphore_mem>>) {add = true}
      %dma_wait3A_110 = arith.constant 21 : i32
      %dma_wait3A_111 = arith.constant 0 : i32
      %dma_wait3A_112 = tpu.memref_slice %arg8[%dma_wait3A_110, %dma_wait3A_111] : memref<25x100xi32, #tpu.memory_space<vmem>> -> memref<1x100xi32, #tpu.memory_space<vmem>>
      %dma_wait3A_113 = tpu.memref_squeeze %dma_wait3A_112 : memref<1x100xi32, #tpu.memory_space<vmem>> -> memref<100xi32, #tpu.memory_space<vmem>>
      %dma_wait3A_114 = arith.constant 0 : i32
      %dma_wait3A_115 = arith.constant 0 : i32
      %dma_wait3A_116 = tpu.memref_slice %arg28[%dma_wait3A_114, %dma_wait3A_115] : memref<10240x128xf32, #tpu.memory_space<vmem_shared>> -> memref<10240x128xf32, #tpu.memory_space<vmem_shared>>
      tpu.wait_indirect_dma semaphore(%arg19 : memref<!tpu.dma_semaphore, #tpu.memory_space<semaphore_mem>>) src(%arg9 : memref<100x128xf32, #tpu.memory_space<vmem>>) dst(%dma_wait3A_116 : memref<10240x128xf32, #tpu.memory_space<vmem_shared>>)
      %dma_wait3A_117 = arith.constant 21 : i32
      %dma_wait3A_118 = arith.constant 0 : i32
      %dma_wait3A_119 = tpu.memref_slice %arg8[%dma_wait3A_117, %dma_wait3A_118] : memref<25x100xi32, #tpu.memory_space<vmem>> -> memref<1x100xi32, #tpu.memory_space<vmem>>
      %dma_wait3A_120 = tpu.memref_squeeze %dma_wait3A_119 : memref<1x100xi32, #tpu.memory_space<vmem>> -> memref<100xi32, #tpu.memory_space<vmem>>
      %dma_wait3A_121 = arith.constant 0 : i32
      %dma_wait3A_122 = tpu.memref_slice %arg29[%dma_wait3A_121] : memref<10240xf32, #tpu.memory_space<vmem_shared>> -> memref<10240xf32, #tpu.memory_space<vmem_shared>>
      tpu.wait_indirect_dma semaphore(%arg25 : memref<!tpu.dma_semaphore, #tpu.memory_space<semaphore_mem>>) src(%arg12 : memref<100xf32, #tpu.memory_space<vmem>>) dst(%dma_wait3A_122 : memref<10240xf32, #tpu.memory_space<vmem_shared>>)
      %dma_start3A_123 = arith.constant 24 : i32
      %dma_start3A_124 = arith.constant 0 : i32
      %dma_start3A_125 = tpu.memref_slice %arg7[%dma_start3A_123, %dma_start3A_124] : memref<25x100xi32, #tpu.memory_space<vmem>> -> memref<1x100xi32, #tpu.memory_space<vmem>>
      %dma_start3A_126 = tpu.memref_squeeze %dma_start3A_125 : memref<1x100xi32, #tpu.memory_space<vmem>> -> memref<100xi32, #tpu.memory_space<vmem>>
      %dma_start3A_127 = arith.constant 0 : i32
      %dma_start3A_128 = arith.constant 0 : i32
      %dma_start3A_129 = tpu.memref_slice %arg3[%dma_start3A_127, %dma_start3A_128] : memref<10240x128xf32, #tpu.memory_space<hbm>> -> memref<10240x128xf32, #tpu.memory_space<hbm>>
      tpu.enqueue_indirect_dma source(%dma_start3A_129 : memref<10240x128xf32, #tpu.memory_space<hbm>>) target(%arg9 : memref<100x128xf32, #tpu.memory_space<vmem>>) offsets(%dma_start3A_126 : memref<100xi32, #tpu.memory_space<vmem>>) semaphore(%arg16 : memref<!tpu.dma_semaphore, #tpu.memory_space<semaphore_mem>>)
      %dma_start3A_130 = arith.constant 24 : i32
      %dma_start3A_131 = arith.constant 0 : i32
      %dma_start3A_132 = tpu.memref_slice %arg7[%dma_start3A_130, %dma_start3A_131] : memref<25x100xi32, #tpu.memory_space<vmem>> -> memref<1x100xi32, #tpu.memory_space<vmem>>
      %dma_start3A_133 = tpu.memref_squeeze %dma_start3A_132 : memref<1x100xi32, #tpu.memory_space<vmem>> -> memref<100xi32, #tpu.memory_space<vmem>>
      %dma_start3A_134 = arith.constant 0 : i32
      %dma_start3A_135 = tpu.memref_slice %arg4[%dma_start3A_134] : memref<10240xf32, #tpu.memory_space<hbm>> -> memref<10240xf32, #tpu.memory_space<hbm>>
      tpu.enqueue_indirect_dma source(%dma_start3A_135 : memref<10240xf32, #tpu.memory_space<hbm>>) target(%arg12 : memref<100xf32, #tpu.memory_space<vmem>>) offsets(%dma_start3A_133 : memref<100xi32, #tpu.memory_space<vmem>>) semaphore(%arg22 : memref<!tpu.dma_semaphore, #tpu.memory_space<semaphore_mem>>)
      %dma_wait3A_136 = arith.constant 22 : i32
      %dma_wait3A_137 = arith.constant 0 : i32
      %dma_wait3A_138 = tpu.memref_slice %arg7[%dma_wait3A_136, %dma_wait3A_137] : memref<25x100xi32, #tpu.memory_space<vmem>> -> memref<1x100xi32, #tpu.memory_space<vmem>>
      %dma_wait3A_139 = tpu.memref_squeeze %dma_wait3A_138 : memref<1x100xi32, #tpu.memory_space<vmem>> -> memref<100xi32, #tpu.memory_space<vmem>>
      %dma_wait3A_140 = arith.constant 0 : i32
      %dma_wait3A_141 = arith.constant 0 : i32
      %dma_wait3A_142 = tpu.memref_slice %arg3[%dma_wait3A_140, %dma_wait3A_141] : memref<10240x128xf32, #tpu.memory_space<hbm>> -> memref<10240x128xf32, #tpu.memory_space<hbm>>
      tpu.wait_indirect_dma semaphore(%arg17 : memref<!tpu.dma_semaphore, #tpu.memory_space<semaphore_mem>>) src(%dma_wait3A_142 : memref<10240x128xf32, #tpu.memory_space<hbm>>) dst(%arg10 : memref<100x128xf32, #tpu.memory_space<vmem>>)
      %dma_start3A_143 = arith.constant 22 : i32
      %dma_start3A_144 = arith.constant 0 : i32
      %dma_start3A_145 = tpu.memref_slice %arg8[%dma_start3A_143, %dma_start3A_144] : memref<25x100xi32, #tpu.memory_space<vmem>> -> memref<1x100xi32, #tpu.memory_space<vmem>>
      %dma_start3A_146 = tpu.memref_squeeze %dma_start3A_145 : memref<1x100xi32, #tpu.memory_space<vmem>> -> memref<100xi32, #tpu.memory_space<vmem>>
      %dma_start3A_147 = arith.constant 0 : i32
      %dma_start3A_148 = arith.constant 0 : i32
      %dma_start3A_149 = tpu.memref_slice %arg28[%dma_start3A_147, %dma_start3A_148] : memref<10240x128xf32, #tpu.memory_space<vmem_shared>> -> memref<10240x128xf32, #tpu.memory_space<vmem_shared>>
      tpu.enqueue_indirect_dma source(%arg10 : memref<100x128xf32, #tpu.memory_space<vmem>>) target(%dma_start3A_149 : memref<10240x128xf32, #tpu.memory_space<vmem_shared>>) offsets(%dma_start3A_146 : memref<100xi32, #tpu.memory_space<vmem>>) semaphore(%arg20 : memref<!tpu.dma_semaphore, #tpu.memory_space<semaphore_mem>>) {add = true}
      %dma_wait3A_150 = arith.constant 22 : i32
      %dma_wait3A_151 = arith.constant 0 : i32
      %dma_wait3A_152 = tpu.memref_slice %arg7[%dma_wait3A_150, %dma_wait3A_151] : memref<25x100xi32, #tpu.memory_space<vmem>> -> memref<1x100xi32, #tpu.memory_space<vmem>>
      %dma_wait3A_153 = tpu.memref_squeeze %dma_wait3A_152 : memref<1x100xi32, #tpu.memory_space<vmem>> -> memref<100xi32, #tpu.memory_space<vmem>>
      %dma_wait3A_154 = arith.constant 0 : i32
      %dma_wait3A_155 = tpu.memref_slice %arg4[%dma_wait3A_154] : memref<10240xf32, #tpu.memory_space<hbm>> -> memref<10240xf32, #tpu.memory_space<hbm>>
      tpu.wait_indirect_dma semaphore(%arg23 : memref<!tpu.dma_semaphore, #tpu.memory_space<semaphore_mem>>) src(%dma_wait3A_155 : memref<10240xf32, #tpu.memory_space<hbm>>) dst(%arg13 : memref<100xf32, #tpu.memory_space<vmem>>)
      %dma_start3A_156 = arith.constant 22 : i32
      %dma_start3A_157 = arith.constant 0 : i32
      %dma_start3A_158 = tpu.memref_slice %arg8[%dma_start3A_156, %dma_start3A_157] : memref<25x100xi32, #tpu.memory_space<vmem>> -> memref<1x100xi32, #tpu.memory_space<vmem>>
      %dma_start3A_159 = tpu.memref_squeeze %dma_start3A_158 : memref<1x100xi32, #tpu.memory_space<vmem>> -> memref<100xi32, #tpu.memory_space<vmem>>
      %dma_start3A_160 = arith.constant 0 : i32
      %dma_start3A_161 = tpu.memref_slice %arg29[%dma_start3A_160] : memref<10240xf32, #tpu.memory_space<vmem_shared>> -> memref<10240xf32, #tpu.memory_space<vmem_shared>>
      tpu.enqueue_indirect_dma source(%arg13 : memref<100xf32, #tpu.memory_space<vmem>>) target(%dma_start3A_161 : memref<10240xf32, #tpu.memory_space<vmem_shared>>) offsets(%dma_start3A_159 : memref<100xi32, #tpu.memory_space<vmem>>) semaphore(%arg26 : memref<!tpu.dma_semaphore, #tpu.memory_space<semaphore_mem>>) {add = true}
      %dma_wait3A_162 = arith.constant 22 : i32
      %dma_wait3A_163 = arith.constant 0 : i32
      %dma_wait3A_164 = tpu.memref_slice %arg8[%dma_wait3A_162, %dma_wait3A_163] : memref<25x100xi32, #tpu.memory_space<vmem>> -> memref<1x100xi32, #tpu.memory_space<vmem>>
      %dma_wait3A_165 = tpu.memref_squeeze %dma_wait3A_164 : memref<1x100xi32, #tpu.memory_space<vmem>> -> memref<100xi32, #tpu.memory_space<vmem>>
      %dma_wait3A_166 = arith.constant 0 : i32
      %dma_wait3A_167 = arith.constant 0 : i32
      %dma_wait3A_168 = tpu.memref_slice %arg28[%dma_wait3A_166, %dma_wait3A_167] : memref<10240x128xf32, #tpu.memory_space<vmem_shared>> -> memref<10240x128xf32, #tpu.memory_space<vmem_shared>>
      tpu.wait_indirect_dma semaphore(%arg20 : memref<!tpu.dma_semaphore, #tpu.memory_space<semaphore_mem>>) src(%arg10 : memref<100x128xf32, #tpu.memory_space<vmem>>) dst(%dma_wait3A_168 : memref<10240x128xf32, #tpu.memory_space<vmem_shared>>)
      %dma_wait3A_169 = arith.constant 22 : i32
      %dma_wait3A_170 = arith.constant 0 : i32
      %dma_wait3A_171 = tpu.memref_slice %arg8[%dma_wait3A_169, %dma_wait3A_170] : memref<25x100xi32, #tpu.memory_space<vmem>> -> memref<1x100xi32, #tpu.memory_space<vmem>>
      %dma_wait3A_172 = tpu.memref_squeeze %dma_wait3A_171 : memref<1x100xi32, #tpu.memory_space<vmem>> -> memref<100xi32, #tpu.memory_space<vmem>>
      %dma_wait3A_173 = arith.constant 0 : i32
      %dma_wait3A_174 = tpu.memref_slice %arg29[%dma_wait3A_173] : memref<10240xf32, #tpu.memory_space<vmem_shared>> -> memref<10240xf32, #tpu.memory_space<vmem_shared>>
      tpu.wait_indirect_dma semaphore(%arg26 : memref<!tpu.dma_semaphore, #tpu.memory_space<semaphore_mem>>) src(%arg13 : memref<100xf32, #tpu.memory_space<vmem>>) dst(%dma_wait3A_174 : memref<10240xf32, #tpu.memory_space<vmem_shared>>)
      %dma_wait3A_175 = arith.constant 23 : i32
      %dma_wait3A_176 = arith.constant 0 : i32
      %dma_wait3A_177 = tpu.memref_slice %arg7[%dma_wait3A_175, %dma_wait3A_176] : memref<25x100xi32, #tpu.memory_space<vmem>> -> memref<1x100xi32, #tpu.memory_space<vmem>>
      %dma_wait3A_178 = tpu.memref_squeeze %dma_wait3A_177 : memref<1x100xi32, #tpu.memory_space<vmem>> -> memref<100xi32, #tpu.memory_space<vmem>>
      %dma_wait3A_179 = arith.constant 0 : i32
      %dma_wait3A_180 = arith.constant 0 : i32
      %dma_wait3A_181 = tpu.memref_slice %arg3[%dma_wait3A_179, %dma_wait3A_180] : memref<10240x128xf32, #tpu.memory_space<hbm>> -> memref<10240x128xf32, #tpu.memory_space<hbm>>
      tpu.wait_indirect_dma semaphore(%arg18 : memref<!tpu.dma_semaphore, #tpu.memory_space<semaphore_mem>>) src(%dma_wait3A_181 : memref<10240x128xf32, #tpu.memory_space<hbm>>) dst(%arg11 : memref<100x128xf32, #tpu.memory_space<vmem>>)
      %dma_start3A_182 = arith.constant 23 : i32
      %dma_start3A_183 = arith.constant 0 : i32
      %dma_start3A_184 = tpu.memref_slice %arg8[%dma_start3A_182, %dma_start3A_183] : memref<25x100xi32, #tpu.memory_space<vmem>> -> memref<1x100xi32, #tpu.memory_space<vmem>>
      %dma_start3A_185 = tpu.memref_squeeze %dma_start3A_184 : memref<1x100xi32, #tpu.memory_space<vmem>> -> memref<100xi32, #tpu.memory_space<vmem>>
      %dma_start3A_186 = arith.constant 0 : i32
      %dma_start3A_187 = arith.constant 0 : i32
      %dma_start3A_188 = tpu.memref_slice %arg28[%dma_start3A_186, %dma_start3A_187] : memref<10240x128xf32, #tpu.memory_space<vmem_shared>> -> memref<10240x128xf32, #tpu.memory_space<vmem_shared>>
      tpu.enqueue_indirect_dma source(%arg11 : memref<100x128xf32, #tpu.memory_space<vmem>>) target(%dma_start3A_188 : memref<10240x128xf32, #tpu.memory_space<vmem_shared>>) offsets(%dma_start3A_185 : memref<100xi32, #tpu.memory_space<vmem>>) semaphore(%arg21 : memref<!tpu.dma_semaphore, #tpu.memory_space<semaphore_mem>>) {add = true}
      %dma_wait3A_189 = arith.constant 23 : i32
      %dma_wait3A_190 = arith.constant 0 : i32
      %dma_wait3A_191 = tpu.memref_slice %arg7[%dma_wait3A_189, %dma_wait3A_190] : memref<25x100xi32, #tpu.memory_space<vmem>> -> memref<1x100xi32, #tpu.memory_space<vmem>>
      %dma_wait3A_192 = tpu.memref_squeeze %dma_wait3A_191 : memref<1x100xi32, #tpu.memory_space<vmem>> -> memref<100xi32, #tpu.memory_space<vmem>>
      %dma_wait3A_193 = arith.constant 0 : i32
      %dma_wait3A_194 = tpu.memref_slice %arg4[%dma_wait3A_193] : memref<10240xf32, #tpu.memory_space<hbm>> -> memref<10240xf32, #tpu.memory_space<hbm>>
      tpu.wait_indirect_dma semaphore(%arg24 : memref<!tpu.dma_semaphore, #tpu.memory_space<semaphore_mem>>) src(%dma_wait3A_194 : memref<10240xf32, #tpu.memory_space<hbm>>) dst(%arg14 : memref<100xf32, #tpu.memory_space<vmem>>)
      %dma_start3A_195 = arith.constant 23 : i32
      %dma_start3A_196 = arith.constant 0 : i32
      %dma_start3A_197 = tpu.memref_slice %arg8[%dma_start3A_195, %dma_start3A_196] : memref<25x100xi32, #tpu.memory_space<vmem>> -> memref<1x100xi32, #tpu.memory_space<vmem>>
      %dma_start3A_198 = tpu.memref_squeeze %dma_start3A_197 : memref<1x100xi32, #tpu.memory_space<vmem>> -> memref<100xi32, #tpu.memory_space<vmem>>
      %dma_start3A_199 = arith.constant 0 : i32
      %dma_start3A_200 = tpu.memref_slice %arg29[%dma_start3A_199] : memref<10240xf32, #tpu.memory_space<vmem_shared>> -> memref<10240xf32, #tpu.memory_space<vmem_shared>>
      tpu.enqueue_indirect_dma source(%arg14 : memref<100xf32, #tpu.memory_space<vmem>>) target(%dma_start3A_200 : memref<10240xf32, #tpu.memory_space<vmem_shared>>) offsets(%dma_start3A_198 : memref<100xi32, #tpu.memory_space<vmem>>) semaphore(%arg27 : memref<!tpu.dma_semaphore, #tpu.memory_space<semaphore_mem>>) {add = true}
      %dma_wait3A_201 = arith.constant 23 : i32
      %dma_wait3A_202 = arith.constant 0 : i32
      %dma_wait3A_203 = tpu.memref_slice %arg8[%dma_wait3A_201, %dma_wait3A_202] : memref<25x100xi32, #tpu.memory_space<vmem>> -> memref<1x100xi32, #tpu.memory_space<vmem>>
      %dma_wait3A_204 = tpu.memref_squeeze %dma_wait3A_203 : memref<1x100xi32, #tpu.memory_space<vmem>> -> memref<100xi32, #tpu.memory_space<vmem>>
      %dma_wait3A_205 = arith.constant 0 : i32
      %dma_wait3A_206 = arith.constant 0 : i32
      %dma_wait3A_207 = tpu.memref_slice %arg28[%dma_wait3A_205, %dma_wait3A_206] : memref<10240x128xf32, #tpu.memory_space<vmem_shared>> -> memref<10240x128xf32, #tpu.memory_space<vmem_shared>>
      tpu.wait_indirect_dma semaphore(%arg21 : memref<!tpu.dma_semaphore, #tpu.memory_space<semaphore_mem>>) src(%arg11 : memref<100x128xf32, #tpu.memory_space<vmem>>) dst(%dma_wait3A_207 : memref<10240x128xf32, #tpu.memory_space<vmem_shared>>)
      %dma_wait3A_208 = arith.constant 23 : i32
      %dma_wait3A_209 = arith.constant 0 : i32
      %dma_wait3A_210 = tpu.memref_slice %arg8[%dma_wait3A_208, %dma_wait3A_209] : memref<25x100xi32, #tpu.memory_space<vmem>> -> memref<1x100xi32, #tpu.memory_space<vmem>>
      %dma_wait3A_211 = tpu.memref_squeeze %dma_wait3A_210 : memref<1x100xi32, #tpu.memory_space<vmem>> -> memref<100xi32, #tpu.memory_space<vmem>>
      %dma_wait3A_212 = arith.constant 0 : i32
      %dma_wait3A_213 = tpu.memref_slice %arg29[%dma_wait3A_212] : memref<10240xf32, #tpu.memory_space<vmem_shared>> -> memref<10240xf32, #tpu.memory_space<vmem_shared>>
      tpu.wait_indirect_dma semaphore(%arg27 : memref<!tpu.dma_semaphore, #tpu.memory_space<semaphore_mem>>) src(%arg14 : memref<100xf32, #tpu.memory_space<vmem>>) dst(%dma_wait3A_213 : memref<10240xf32, #tpu.memory_space<vmem_shared>>)
      %dma_wait3A_214 = arith.constant 24 : i32
      %dma_wait3A_215 = arith.constant 0 : i32
      %dma_wait3A_216 = tpu.memref_slice %arg7[%dma_wait3A_214, %dma_wait3A_215] : memref<25x100xi32, #tpu.memory_space<vmem>> -> memref<1x100xi32, #tpu.memory_space<vmem>>
      %dma_wait3A_217 = tpu.memref_squeeze %dma_wait3A_216 : memref<1x100xi32, #tpu.memory_space<vmem>> -> memref<100xi32, #tpu.memory_space<vmem>>
      %dma_wait3A_218 = arith.constant 0 : i32
      %dma_wait3A_219 = arith.constant 0 : i32
      %dma_wait3A_220 = tpu.memref_slice %arg3[%dma_wait3A_218, %dma_wait3A_219] : memref<10240x128xf32, #tpu.memory_space<hbm>> -> memref<10240x128xf32, #tpu.memory_space<hbm>>
      tpu.wait_indirect_dma semaphore(%arg16 : memref<!tpu.dma_semaphore, #tpu.memory_space<semaphore_mem>>) src(%dma_wait3A_220 : memref<10240x128xf32, #tpu.memory_space<hbm>>) dst(%arg9 : memref<100x128xf32, #tpu.memory_space<vmem>>)
      %dma_start3A_221 = arith.constant 24 : i32
      %dma_start3A_222 = arith.constant 0 : i32
      %dma_start3A_223 = tpu.memref_slice %arg8[%dma_start3A_221, %dma_start3A_222] : memref<25x100xi32, #tpu.memory_space<vmem>> -> memref<1x100xi32, #tpu.memory_space<vmem>>
      %dma_start3A_224 = tpu.memref_squeeze %dma_start3A_223 : memref<1x100xi32, #tpu.memory_space<vmem>> -> memref<100xi32, #tpu.memory_space<vmem>>
      %dma_start3A_225 = arith.constant 0 : i32
      %dma_start3A_226 = arith.constant 0 : i32
      %dma_start3A_227 = tpu.memref_slice %arg28[%dma_start3A_225, %dma_start3A_226] : memref<10240x128xf32, #tpu.memory_space<vmem_shared>> -> memref<10240x128xf32, #tpu.memory_space<vmem_shared>>
      tpu.enqueue_indirect_dma source(%arg9 : memref<100x128xf32, #tpu.memory_space<vmem>>) target(%dma_start3A_227 : memref<10240x128xf32, #tpu.memory_space<vmem_shared>>) offsets(%dma_start3A_224 : memref<100xi32, #tpu.memory_space<vmem>>) semaphore(%arg19 : memref<!tpu.dma_semaphore, #tpu.memory_space<semaphore_mem>>) {add = true}
      %dma_wait3A_228 = arith.constant 24 : i32
      %dma_wait3A_229 = arith.constant 0 : i32
      %dma_wait3A_230 = tpu.memref_slice %arg7[%dma_wait3A_228, %dma_wait3A_229] : memref<25x100xi32, #tpu.memory_space<vmem>> -> memref<1x100xi32, #tpu.memory_space<vmem>>
      %dma_wait3A_231 = tpu.memref_squeeze %dma_wait3A_230 : memref<1x100xi32, #tpu.memory_space<vmem>> -> memref<100xi32, #tpu.memory_space<vmem>>
      %dma_wait3A_232 = arith.constant 0 : i32
      %dma_wait3A_233 = tpu.memref_slice %arg4[%dma_wait3A_232] : memref<10240xf32, #tpu.memory_space<hbm>> -> memref<10240xf32, #tpu.memory_space<hbm>>
      tpu.wait_indirect_dma semaphore(%arg22 : memref<!tpu.dma_semaphore, #tpu.memory_space<semaphore_mem>>) src(%dma_wait3A_233 : memref<10240xf32, #tpu.memory_space<hbm>>) dst(%arg12 : memref<100xf32, #tpu.memory_space<vmem>>)
      %dma_start3A_234 = arith.constant 24 : i32
      %dma_start3A_235 = arith.constant 0 : i32
      %dma_start3A_236 = tpu.memref_slice %arg8[%dma_start3A_234, %dma_start3A_235] : memref<25x100xi32, #tpu.memory_space<vmem>> -> memref<1x100xi32, #tpu.memory_space<vmem>>
      %dma_start3A_237 = tpu.memref_squeeze %dma_start3A_236 : memref<1x100xi32, #tpu.memory_space<vmem>> -> memref<100xi32, #tpu.memory_space<vmem>>
      %dma_start3A_238 = arith.constant 0 : i32
      %dma_start3A_239 = tpu.memref_slice %arg29[%dma_start3A_238] : memref<10240xf32, #tpu.memory_space<vmem_shared>> -> memref<10240xf32, #tpu.memory_space<vmem_shared>>
      tpu.enqueue_indirect_dma source(%arg12 : memref<100xf32, #tpu.memory_space<vmem>>) target(%dma_start3A_239 : memref<10240xf32, #tpu.memory_space<vmem_shared>>) offsets(%dma_start3A_237 : memref<100xi32, #tpu.memory_space<vmem>>) semaphore(%arg25 : memref<!tpu.dma_semaphore, #tpu.memory_space<semaphore_mem>>) {add = true}
      %dma_wait3A_240 = arith.constant 24 : i32
      %dma_wait3A_241 = arith.constant 0 : i32
      %dma_wait3A_242 = tpu.memref_slice %arg8[%dma_wait3A_240, %dma_wait3A_241] : memref<25x100xi32, #tpu.memory_space<vmem>> -> memref<1x100xi32, #tpu.memory_space<vmem>>
      %dma_wait3A_243 = tpu.memref_squeeze %dma_wait3A_242 : memref<1x100xi32, #tpu.memory_space<vmem>> -> memref<100xi32, #tpu.memory_space<vmem>>
      %dma_wait3A_244 = arith.constant 0 : i32
      %dma_wait3A_245 = arith.constant 0 : i32
      %dma_wait3A_246 = tpu.memref_slice %arg28[%dma_wait3A_244, %dma_wait3A_245] : memref<10240x128xf32, #tpu.memory_space<vmem_shared>> -> memref<10240x128xf32, #tpu.memory_space<vmem_shared>>
      tpu.wait_indirect_dma semaphore(%arg19 : memref<!tpu.dma_semaphore, #tpu.memory_space<semaphore_mem>>) src(%arg9 : memref<100x128xf32, #tpu.memory_space<vmem>>) dst(%dma_wait3A_246 : memref<10240x128xf32, #tpu.memory_space<vmem_shared>>)
      %dma_wait3A_247 = arith.constant 24 : i32
      %dma_wait3A_248 = arith.constant 0 : i32
      %dma_wait3A_249 = tpu.memref_slice %arg8[%dma_wait3A_247, %dma_wait3A_248] : memref<25x100xi32, #tpu.memory_space<vmem>> -> memref<1x100xi32, #tpu.memory_space<vmem>>
      %dma_wait3A_250 = tpu.memref_squeeze %dma_wait3A_249 : memref<1x100xi32, #tpu.memory_space<vmem>> -> memref<100xi32, #tpu.memory_space<vmem>>
      %dma_wait3A_251 = arith.constant 0 : i32
      %dma_wait3A_252 = tpu.memref_slice %arg29[%dma_wait3A_251] : memref<10240xf32, #tpu.memory_space<vmem_shared>> -> memref<10240xf32, #tpu.memory_space<vmem_shared>>
      tpu.wait_indirect_dma semaphore(%arg25 : memref<!tpu.dma_semaphore, #tpu.memory_space<semaphore_mem>>) src(%arg12 : memref<100xf32, #tpu.memory_space<vmem>>) dst(%dma_wait3A_252 : memref<10240xf32, #tpu.memory_space<vmem_shared>>)
    }
    %scan3A_21 = arith.constant 4 : i32
    %barrier3A_22 = arith.constant 0 : index
    tpu.barrier barrier_id(%barrier3A_22)
    %mul3A_23 = arith.constant 640 : i32
    %mul3A_24 = arith.muli %arg1, %mul3A_23 : i32
    %mul3A_25 = arith.constant 640 : i32
    %mul3A_26 = arith.muli %arg1, %mul3A_25 : i32
    "tpu.region"() ({
      %run_scoped3A = tpu.sem_alloc : memref<!tpu.dma_semaphore, #tpu.memory_space<semaphore_mem>>
      %dma_start3A = arith.constant 0 : i32
      %dma_start3A_31 = tpu.memref_slice %arg5[%arg0, %mul3A_26, %dma_start3A] : memref<2x10240x128xf32, #tpu.memory_space<hbm>> -> memref<1x640x128xf32, #tpu.memory_space<hbm>>
      %dma_start3A_32 = tpu.memref_squeeze %dma_start3A_31 : memref<1x640x128xf32, #tpu.memory_space<hbm>> -> memref<640x128xf32, #tpu.memory_space<hbm>>
      %dma_start3A_33 = arith.constant 0 : i32
      %dma_start3A_34 = tpu.memref_slice %arg28[%mul3A_24, %dma_start3A_33] : memref<10240x128xf32, #tpu.memory_space<vmem_shared>> -> memref<640x128xf32, #tpu.memory_space<vmem_shared>>
      tpu.enqueue_dma source(%dma_start3A_34 : memref<640x128xf32, #tpu.memory_space<vmem_shared>>) target(%dma_start3A_32 : memref<640x128xf32, #tpu.memory_space<hbm>>) target_semaphore(%run_scoped3A : memref<!tpu.dma_semaphore, #tpu.memory_space<semaphore_mem>>)
      %dma_wait3A = arith.constant 0 : i32
      %dma_wait3A_35 = tpu.memref_slice %arg5[%arg0, %mul3A_26, %dma_wait3A] : memref<2x10240x128xf32, #tpu.memory_space<hbm>> -> memref<1x640x128xf32, #tpu.memory_space<hbm>>
      %dma_wait3A_36 = tpu.memref_squeeze %dma_wait3A_35 : memref<1x640x128xf32, #tpu.memory_space<hbm>> -> memref<640x128xf32, #tpu.memory_space<hbm>>
      %dma_wait3A_37 = arith.constant 0 : i32
      %dma_wait3A_38 = tpu.memref_slice %arg28[%mul3A_24, %dma_wait3A_37] : memref<10240x128xf32, #tpu.memory_space<vmem_shared>> -> memref<640x128xf32, #tpu.memory_space<vmem_shared>>
      tpu.wait_dma2 semaphore(%run_scoped3A : memref<!tpu.dma_semaphore, #tpu.memory_space<semaphore_mem>>) src(%dma_wait3A_38 : memref<640x128xf32, #tpu.memory_space<vmem_shared>>) dst(%dma_wait3A_36 : memref<640x128xf32, #tpu.memory_space<hbm>>)
      tpu.yield
    }) : () -> ()
    %mul3A_27 = arith.constant 640 : i32
    %mul3A_28 = arith.muli %arg1, %mul3A_27 : i32
    %mul3A_29 = arith.constant 640 : i32
    %mul3A_30 = arith.muli %arg1, %mul3A_29 : i32
    "tpu.region"() ({
      %run_scoped3A = tpu.sem_alloc : memref<!tpu.dma_semaphore, #tpu.memory_space<semaphore_mem>>
      %dma_start3A = tpu.memref_slice %arg6[%arg0, %mul3A_30] : memref<2x10240xf32, #tpu.memory_space<hbm>> -> memref<1x640xf32, #tpu.memory_space<hbm>>
      %dma_start3A_31 = tpu.memref_squeeze %dma_start3A : memref<1x640xf32, #tpu.memory_space<hbm>> -> memref<640xf32, #tpu.memory_space<hbm>>
      %dma_start3A_32 = tpu.memref_slice %arg29[%mul3A_28] : memref<10240xf32, #tpu.memory_space<vmem_shared>> -> memref<640xf32, #tpu.memory_space<vmem_shared>>
      tpu.enqueue_dma source(%dma_start3A_32 : memref<640xf32, #tpu.memory_space<vmem_shared>>) target(%dma_start3A_31 : memref<640xf32, #tpu.memory_space<hbm>>) target_semaphore(%run_scoped3A : memref<!tpu.dma_semaphore, #tpu.memory_space<semaphore_mem>>)
      %dma_wait3A = tpu.memref_slice %arg6[%arg0, %mul3A_30] : memref<2x10240xf32, #tpu.memory_space<hbm>> -> memref<1x640xf32, #tpu.memory_space<hbm>>
      %dma_wait3A_33 = tpu.memref_squeeze %dma_wait3A : memref<1x640xf32, #tpu.memory_space<hbm>> -> memref<640xf32, #tpu.memory_space<hbm>>
      %dma_wait3A_34 = tpu.memref_slice %arg29[%mul3A_28] : memref<10240xf32, #tpu.memory_space<vmem_shared>> -> memref<640xf32, #tpu.memory_space<vmem_shared>>
      tpu.wait_dma2 semaphore(%run_scoped3A : memref<!tpu.dma_semaphore, #tpu.memory_space<semaphore_mem>>) src(%dma_wait3A_34 : memref<640xf32, #tpu.memory_space<vmem_shared>>) dst(%dma_wait3A_33 : memref<640xf32, #tpu.memory_space<hbm>>)
      tpu.yield
    }) : () -> ()
    return
  }
}

#map = affine_map<(d0, d1) -> (0, 0, 0)>
#map1 = affine_map<(d0, d1) -> (0, 0)>
module attributes {stable_mosaic.version = 14 : i64} {
  func.func @k(%arg0: i32, %arg1: i32, %arg2: memref<2x3200x100xi32, #tpu.memory_space<hbm>>, %arg3: memref<2x10240xf32, #tpu.memory_space<hbm>>, %arg4: memref<25x100xi32, #tpu.memory_space<vmem>>, %arg5: memref<112xf32, #tpu.memory_space<vmem>>, %arg6: memref<640xf32, #tpu.memory_space<vmem>>, %arg7: memref<!tpu.dma_semaphore, #tpu.memory_space<semaphore_mem>>, %arg8: memref<10240xf32, #tpu.memory_space<vmem_shared>>) attributes {dimension_semantics = [#tpu.dimension_semantics<core_parallel>, #tpu.dimension_semantics<subcore_parallel>], iteration_bounds = array<i64: 2, 16>, scalar_prefetch = 0 : i64, scratch_operands = 5 : i64, tpu.core_type = #tpu.core_type<sc_vector_subcore>, window_params = [{transform_indices = #map}, {transform_indices = #map1}]} {
    %mul3A = arith.constant 16 : i32
    %mul3A_0 = arith.muli %arg0, %mul3A : i32
    %add3A = arith.addi %mul3A_0, %arg1 : i32
    %scan3A = arith.constant 0 : i32
    %scan3A_1 = arith.constant 7 : i32
    %scan3A_2 = arith.addi %scan3A, %scan3A_1 : i32
    %scan3A_3 = arith.constant 1 : i32
    scf.for %scan3A_22 = %scan3A to %scan3A_2 step %scan3A_3  : i32 {
      %mul3A_23 = arith.constant 16 : i32
      %mul3A_24 = arith.muli %scan3A_22, %mul3A_23 : i32
      %add3A_25 = arith.constant 0 : i32
      %add3A_26 = arith.addi %add3A_25, %mul3A_24 : i32
      %broadcast_in_dim3A = arith.constant 1.000000e+00 : f32
      %broadcast_in_dim3A_27 = vector.broadcast %broadcast_in_dim3A : f32 to vector<16xf32>
      %swap3A = arith.index_cast %add3A_26 : i32 to index
      %swap3A_28 = tpu.vector_load %arg5[%swap3A] {strides = array<i32>} : memref<112xf32, #tpu.memory_space<vmem>>, vector<16xf32>,
      %swap3A_29 = vector.shape_cast %swap3A_28 : vector<16xf32> to vector<16xf32>
      %swap3A_30 = vector.shape_cast %broadcast_in_dim3A_27 : vector<16xf32> to vector<16xf32>
      tpu.vector_store %arg5[%swap3A], %swap3A_30 {strides = array<i32>} : memref<112xf32, #tpu.memory_space<vmem>>, vector<16xf32>,
    }
    %scan3A_4 = arith.constant 7 : i32
    %scan3A_5 = arith.constant 0 : i32
    %scan3A_6 = arith.constant 40 : i32
    %scan3A_7 = arith.addi %scan3A_5, %scan3A_6 : i32
    %scan3A_8 = arith.constant 1 : i32
    scf.for %scan3A_22 = %scan3A_5 to %scan3A_7 step %scan3A_8  : i32 {
      %mul3A_23 = arith.constant 16 : i32
      %mul3A_24 = arith.muli %scan3A_22, %mul3A_23 : i32
      %add3A_25 = arith.constant 0 : i32
      %add3A_26 = arith.addi %add3A_25, %mul3A_24 : i32
      %broadcast_in_dim3A = arith.constant 0.000000e+00 : f32
      %broadcast_in_dim3A_27 = vector.broadcast %broadcast_in_dim3A : f32 to vector<16xf32>
      %swap3A = arith.index_cast %add3A_26 : i32 to index
      %swap3A_28 = tpu.vector_load %arg6[%swap3A] {strides = array<i32>} : memref<640xf32, #tpu.memory_space<vmem>>, vector<16xf32>,
      %swap3A_29 = vector.shape_cast %swap3A_28 : vector<16xf32> to vector<16xf32>
      %swap3A_30 = vector.shape_cast %broadcast_in_dim3A_27 : vector<16xf32> to vector<16xf32>
      tpu.vector_store %arg6[%swap3A], %swap3A_30 {strides = array<i32>} : memref<640xf32, #tpu.memory_space<vmem>>, vector<16xf32>,
    }
    %scan3A_9 = arith.constant 40 : i32
    %mul3A_10 = arith.constant 640 : i32
    %mul3A_11 = arith.muli %arg1, %mul3A_10 : i32
    "tpu.region"() ({
      %run_scoped3A = tpu.sem_alloc : memref<!tpu.dma_semaphore, #tpu.memory_space<semaphore_mem>>
      %dma_start3A = tpu.memref_slice %arg8[%mul3A_11] : memref<10240xf32, #tpu.memory_space<vmem_shared>> -> memref<640xf32, #tpu.memory_space<vmem_shared>>
      %dma_start3A_22 = tpu.memref_slice %arg8[%mul3A_11] : memref<10240xf32, #tpu.memory_space<vmem_shared>> -> memref<640xf32, #tpu.memory_space<vmem_shared>>
      tpu.enqueue_dma source(%arg6 : memref<640xf32, #tpu.memory_space<vmem>>) target(%dma_start3A_22 : memref<640xf32, #tpu.memory_space<vmem_shared>>) target_semaphore(%run_scoped3A : memref<!tpu.dma_semaphore, #tpu.memory_space<semaphore_mem>>)
      %dma_wait3A = tpu.memref_slice %arg8[%mul3A_11] : memref<10240xf32, #tpu.memory_space<vmem_shared>> -> memref<640xf32, #tpu.memory_space<vmem_shared>>
      %dma_wait3A_23 = tpu.memref_slice %arg8[%mul3A_11] : memref<10240xf32, #tpu.memory_space<vmem_shared>> -> memref<640xf32, #tpu.memory_space<vmem_shared>>
      tpu.wait_dma2 semaphore(%run_scoped3A : memref<!tpu.dma_semaphore, #tpu.memory_space<semaphore_mem>>) src(%arg6 : memref<640xf32, #tpu.memory_space<vmem>>) dst(%dma_wait3A_23 : memref<640xf32, #tpu.memory_space<vmem_shared>>)
      tpu.yield
    }) : () -> ()
    %barrier3A = arith.constant 0 : index
    tpu.barrier barrier_id(%barrier3A)
    %scan3A_12 = arith.constant 0 : i32
    %scan3A_13 = arith.constant 4 : i32
    %scan3A_14 = arith.addi %scan3A_12, %scan3A_13 : i32
    %scan3A_15 = arith.constant 1 : i32
    scf.for %scan3A_22 = %scan3A_12 to %scan3A_14 step %scan3A_15  : i32 {
      %mul3A_23 = arith.constant 1 : i32
      %mul3A_24 = arith.muli %scan3A_22, %mul3A_23 : i32
      %add3A_25 = arith.constant 0 : i32
      %add3A_26 = arith.addi %add3A_25, %mul3A_24 : i32
      %mul3A_27 = arith.constant 100 : i32
      %mul3A_28 = arith.muli %add3A, %mul3A_27 : i32
      %mul3A_29 = arith.constant 25 : i32
      %mul3A_30 = arith.muli %add3A_26, %mul3A_29 : i32
      %add3A_31 = arith.addi %mul3A_28, %mul3A_30 : i32
      %run_scoped3A = arith.constant 0 : i32
      "tpu.region"() ({
        %run_scoped3A_42 = tpu.sem_alloc : memref<!tpu.dma_semaphore, #tpu.memory_space<semaphore_mem>>
        %dma_start3A = arith.constant 0 : i32
        %dma_start3A_43 = tpu.memref_slice %arg2[%run_scoped3A, %add3A_31, %dma_start3A] : memref<2x3200x100xi32, #tpu.memory_space<hbm>> -> memref<1x25x100xi32, #tpu.memory_space<hbm>>
        %dma_start3A_44 = tpu.memref_squeeze %dma_start3A_43 : memref<1x25x100xi32, #tpu.memory_space<hbm>> -> memref<25x100xi32, #tpu.memory_space<hbm>>
        %dma_start3A_45 = arith.constant 0 : i32
        %dma_start3A_46 = tpu.memref_slice %arg2[%run_scoped3A, %add3A_31, %dma_start3A_45] : memref<2x3200x100xi32, #tpu.memory_space<hbm>> -> memref<1x25x100xi32, #tpu.memory_space<hbm>>
        %dma_start3A_47 = tpu.memref_squeeze %dma_start3A_46 : memref<1x25x100xi32, #tpu.memory_space<hbm>> -> memref<25x100xi32, #tpu.memory_space<hbm>>
        tpu.enqueue_dma source(%dma_start3A_47 : memref<25x100xi32, #tpu.memory_space<hbm>>) target(%arg4 : memref<25x100xi32, #tpu.memory_space<vmem>>) target_semaphore(%run_scoped3A_42 : memref<!tpu.dma_semaphore, #tpu.memory_space<semaphore_mem>>)
        %dma_wait3A = arith.constant 0 : i32
        %dma_wait3A_48 = tpu.memref_slice %arg2[%run_scoped3A, %add3A_31, %dma_wait3A] : memref<2x3200x100xi32, #tpu.memory_space<hbm>> -> memref<1x25x100xi32, #tpu.memory_space<hbm>>
        %dma_wait3A_49 = tpu.memref_squeeze %dma_wait3A_48 : memref<1x25x100xi32, #tpu.memory_space<hbm>> -> memref<25x100xi32, #tpu.memory_space<hbm>>
        %dma_wait3A_50 = arith.constant 0 : i32
        %dma_wait3A_51 = tpu.memref_slice %arg2[%run_scoped3A, %add3A_31, %dma_wait3A_50] : memref<2x3200x100xi32, #tpu.memory_space<hbm>> -> memref<1x25x100xi32, #tpu.memory_space<hbm>>
        %dma_wait3A_52 = tpu.memref_squeeze %dma_wait3A_51 : memref<1x25x100xi32, #tpu.memory_space<hbm>> -> memref<25x100xi32, #tpu.memory_space<hbm>>
        tpu.wait_dma2 semaphore(%run_scoped3A_42 : memref<!tpu.dma_semaphore, #tpu.memory_space<semaphore_mem>>) src(%dma_wait3A_52 : memref<25x100xi32, #tpu.memory_space<hbm>>) dst(%arg4 : memref<25x100xi32, #tpu.memory_space<vmem>>)
        tpu.yield
      }) : () -> ()
      %scan3A_32 = arith.constant 0 : i32
      %scan3A_33 = arith.constant 25 : i32
      %scan3A_34 = arith.addi %scan3A_32, %scan3A_33 : i32
      %scan3A_35 = arith.constant 1 : i32
      scf.for %scan3A_42 = %scan3A_32 to %scan3A_34 step %scan3A_35  : i32 {
        %mul3A_43 = arith.constant 1 : i32
        %mul3A_44 = arith.muli %scan3A_42, %mul3A_43 : i32
        %add3A_45 = arith.constant 0 : i32
        %add3A_46 = arith.addi %add3A_45, %mul3A_44 : i32
        %dma_start3A = arith.constant 0 : i32
        %dma_start3A_47 = tpu.memref_slice %arg5[%dma_start3A] : memref<112xf32, #tpu.memory_space<vmem>> -> memref<100xf32, #tpu.memory_space<vmem>>
        %dma_start3A_48 = arith.constant 0 : i32
        %dma_start3A_49 = tpu.memref_slice %arg4[%add3A_46, %dma_start3A_48] : memref<25x100xi32, #tpu.memory_space<vmem>> -> memref<1x100xi32, #tpu.memory_space<vmem>>
        %dma_start3A_50 = tpu.memref_squeeze %dma_start3A_49 : memref<1x100xi32, #tpu.memory_space<vmem>> -> memref<100xi32, #tpu.memory_space<vmem>>
        %dma_start3A_51 = arith.constant 0 : i32
        %dma_start3A_52 = tpu.memref_slice %arg8[%dma_start3A_51] : memref<10240xf32, #tpu.memory_space<vmem_shared>> -> memref<10240xf32, #tpu.memory_space<vmem_shared>>
        tpu.enqueue_indirect_dma source(%dma_start3A_47 : memref<100xf32, #tpu.memory_space<vmem>>) target(%dma_start3A_52 : memref<10240xf32, #tpu.memory_space<vmem_shared>>) offsets(%dma_start3A_50 : memref<100xi32, #tpu.memory_space<vmem>>) semaphore(%arg7 : memref<!tpu.dma_semaphore, #tpu.memory_space<semaphore_mem>>) {add = true}
      }
      %scan3A_36 = arith.constant 25 : i32
      %scan3A_37 = arith.constant 0 : i32
      %scan3A_38 = arith.constant 25 : i32
      %scan3A_39 = arith.addi %scan3A_37, %scan3A_38 : i32
      %scan3A_40 = arith.constant 1 : i32
      scf.for %scan3A_42 = %scan3A_37 to %scan3A_39 step %scan3A_40  : i32 {
        %mul3A_43 = arith.constant 1 : i32
        %mul3A_44 = arith.muli %scan3A_42, %mul3A_43 : i32
        %add3A_45 = arith.constant 0 : i32
        %add3A_46 = arith.addi %add3A_45, %mul3A_44 : i32
        %dma_wait3A = arith.constant 0 : i32
        %dma_wait3A_47 = tpu.memref_slice %arg5[%dma_wait3A] : memref<112xf32, #tpu.memory_space<vmem>> -> memref<100xf32, #tpu.memory_space<vmem>>
        %dma_wait3A_48 = arith.constant 0 : i32
        %dma_wait3A_49 = tpu.memref_slice %arg4[%add3A_46, %dma_wait3A_48] : memref<25x100xi32, #tpu.memory_space<vmem>> -> memref<1x100xi32, #tpu.memory_space<vmem>>
        %dma_wait3A_50 = tpu.memref_squeeze %dma_wait3A_49 : memref<1x100xi32, #tpu.memory_space<vmem>> -> memref<100xi32, #tpu.memory_space<vmem>>
        %dma_wait3A_51 = arith.constant 0 : i32
        %dma_wait3A_52 = tpu.memref_slice %arg8[%dma_wait3A_51] : memref<10240xf32, #tpu.memory_space<vmem_shared>> -> memref<10240xf32, #tpu.memory_space<vmem_shared>>
        tpu.wait_indirect_dma semaphore(%arg7 : memref<!tpu.dma_semaphore, #tpu.memory_space<semaphore_mem>>) src(%dma_wait3A_47 : memref<100xf32, #tpu.memory_space<vmem>>) dst(%dma_wait3A_52 : memref<10240xf32, #tpu.memory_space<vmem_shared>>)
      }
      %scan3A_41 = arith.constant 25 : i32
    }
    %scan3A_16 = arith.constant 4 : i32
    %barrier3A_17 = arith.constant 0 : index
    tpu.barrier barrier_id(%barrier3A_17)
    %mul3A_18 = arith.constant 640 : i32
    %mul3A_19 = arith.muli %arg1, %mul3A_18 : i32
    %mul3A_20 = arith.constant 640 : i32
    %mul3A_21 = arith.muli %arg1, %mul3A_20 : i32
    "tpu.region"() ({
      %run_scoped3A = tpu.sem_alloc : memref<!tpu.dma_semaphore, #tpu.memory_space<semaphore_mem>>
      %dma_start3A = tpu.memref_slice %arg3[%arg0, %mul3A_21] : memref<2x10240xf32, #tpu.memory_space<hbm>> -> memref<1x640xf32, #tpu.memory_space<hbm>>
      %dma_start3A_22 = tpu.memref_squeeze %dma_start3A : memref<1x640xf32, #tpu.memory_space<hbm>> -> memref<640xf32, #tpu.memory_space<hbm>>
      %dma_start3A_23 = tpu.memref_slice %arg8[%mul3A_19] : memref<10240xf32, #tpu.memory_space<vmem_shared>> -> memref<640xf32, #tpu.memory_space<vmem_shared>>
      tpu.enqueue_dma source(%dma_start3A_23 : memref<640xf32, #tpu.memory_space<vmem_shared>>) target(%dma_start3A_22 : memref<640xf32, #tpu.memory_space<hbm>>) target_semaphore(%run_scoped3A : memref<!tpu.dma_semaphore, #tpu.memory_space<semaphore_mem>>)
      %dma_wait3A = tpu.memref_slice %arg3[%arg0, %mul3A_21] : memref<2x10240xf32, #tpu.memory_space<hbm>> -> memref<1x640xf32, #tpu.memory_space<hbm>>
      %dma_wait3A_24 = tpu.memref_squeeze %dma_wait3A : memref<1x640xf32, #tpu.memory_space<hbm>> -> memref<640xf32, #tpu.memory_space<hbm>>
      %dma_wait3A_25 = tpu.memref_slice %arg8[%mul3A_19] : memref<10240xf32, #tpu.memory_space<vmem_shared>> -> memref<640xf32, #tpu.memory_space<vmem_shared>>
      tpu.wait_dma2 semaphore(%run_scoped3A : memref<!tpu.dma_semaphore, #tpu.memory_space<semaphore_mem>>) src(%dma_wait3A_25 : memref<640xf32, #tpu.memory_space<vmem_shared>>) dst(%dma_wait3A_24 : memref<640xf32, #tpu.memory_space<hbm>>)
      tpu.yield
    }) : () -> ()
    return
  }
}

module attributes {stable_mosaic.version = 14 : i64} {
  func.func @body(%arg0: i32, %arg1: memref<2x2048xf32, #tpu.memory_space<vmem>>, %arg2: memref<2048x128xf32, #tpu.memory_space<vmem>>, %arg3: memref<2048x128xf32, #tpu.memory_space<vmem>>, %arg4: memref<2048x16xf32, #tpu.memory_space<vmem>>) attributes {dimension_semantics = [#tpu.dimension_semantics<arbitrary>], iteration_bounds = array<i64: 5>, scalar_prefetch = 0 : i64, scratch_operands = 0 : i64, tpu.core_type = #tpu.core_type<tc>, window_params = [{transform_indices = @transform_0, window_bounds = array<i64: 2, 2048>}, {transform_indices = @transform_1, window_bounds = array<i64: 2048, 128>}, {transform_indices = @transform_2, window_bounds = array<i64: 2048, 128>}, {transform_indices = @transform_3, window_bounds = array<i64: 2048, 16>}]} {
    %get3A = arith.constant 0 : index
    %get3A_0 = arith.constant 0 : index
    %get3A_1 = vector.load %arg1[%get3A, %get3A_0] : memref<2x2048xf32, #tpu.memory_space<vmem>>, vector<2x2048xf32>
    %broadcast_in_dim3A = arith.constant 1.000000e+00 : f32
    %broadcast_in_dim3A_2 = vector.broadcast %broadcast_in_dim3A : f32 to vector<2x1xf32>
    %dot_general3A = arith.constant dense<0.000000e+00> : vector<2048x1xf32>
    %dot_general3A_3 = tpu.matmul %get3A_1, %broadcast_in_dim3A_2, %dot_general3A {dimension_numbers = #tpu.dot_dimension_numbers<[0], [0], [1], [1], [0, 1, 1, 1], [], []>, transpose_lhs_hint = false} : vector<2x2048xf32>, vector<2x1xf32>, vector<2048x1xf32> -> vector<2048x1xf32>
    %add3A = arith.constant 1.000000e+00 : f32
    %add3A_4 = vector.broadcast %add3A : f32 to vector<2048x1xf32>
    %add3A_5 = arith.addf %dot_general3A_3, %add3A_4 : vector<2048x1xf32>
    %rsqrt3A = math.rsqrt %add3A_5 : vector<2048x1xf32>
    %get3A_6 = arith.constant 0 : index
    %get3A_7 = arith.constant 0 : index
    %get3A_8 = vector.load %arg2[%get3A_6, %get3A_7] : memref<2048x128xf32, #tpu.memory_space<vmem>>, vector<2048x128xf32>
    %mul3A = vector.broadcast %rsqrt3A : vector<2048x1xf32> to vector<2048x128xf32>
    %mul3A_9 = arith.mulf %mul3A, %get3A_8 : vector<2048x128xf32>
    %swap3A = arith.constant 0 : index
    %swap3A_10 = arith.constant 0 : index
    %swap3A_11 = vector.load %arg3[%swap3A, %swap3A_10] : memref<2048x128xf32, #tpu.memory_space<vmem>>, vector<2048x128xf32>
    tpu.vector_store %arg3[%swap3A, %swap3A_10], %mul3A_9 {strides = array<i32>} : memref<2048x128xf32, #tpu.memory_space<vmem>>, vector<2048x128xf32>,
    %broadcast_in_dim3A_12 = vector.shape_cast %rsqrt3A : vector<2048x1xf32> to vector<2048x1xf32>
    %broadcast_in_dim3A_13 = vector.broadcast %broadcast_in_dim3A_12 : vector<2048x1xf32> to vector<2048x16xf32>
    %swap3A_14 = arith.constant 0 : index
    %swap3A_15 = arith.constant 0 : index
    %swap3A_16 = vector.load %arg4[%swap3A_14, %swap3A_15] : memref<2048x16xf32, #tpu.memory_space<vmem>>, vector<2048x16xf32>
    tpu.vector_store %arg4[%swap3A_14, %swap3A_15], %broadcast_in_dim3A_13 {strides = array<i32>} : memref<2048x16xf32, #tpu.memory_space<vmem>>, vector<2048x16xf32>,
    return
  }
  func.func @transform_0(%arg0: i32) -> (i32, i32) {
    %c0_i32 = arith.constant 0 : i32
    %c0_i32_0 = arith.constant 0 : i32
    return %c0_i32, %arg0 : i32, i32
  }
  func.func @transform_1(%arg0: i32) -> (i32, i32) {
    %c0_i32 = arith.constant 0 : i32
    %c0_i32_0 = arith.constant 0 : i32
    return %arg0, %c0_i32 : i32, i32
  }
  func.func @transform_2(%arg0: i32) -> (i32, i32) {
    %c0_i32 = arith.constant 0 : i32
    %c0_i32_0 = arith.constant 0 : i32
    return %arg0, %c0_i32 : i32, i32
  }
  func.func @transform_3(%arg0: i32) -> (i32, i32) {
    %c0_i32 = arith.constant 0 : i32
    %c0_i32_0 = arith.constant 0 : i32
    return %arg0, %c0_i32 : i32, i32
  }
}

module attributes {stable_mosaic.version = 14 : i64} {
  func.func @body(%arg0: i32, %arg1: memref<2048x128xf32, #tpu.memory_space<vmem>>, %arg2: memref<2048x16xf32, #tpu.memory_space<vmem>>, %arg3: memref<2x2048x128xf32, #tpu.memory_space<vmem>>, %arg4: memref<2x2048xf32, #tpu.memory_space<vmem>>, %arg5: memref<128x128xf32, #tpu.memory_space<vmem>>, %arg6: memref<1x128xf32, #tpu.memory_space<vmem>>, %arg7: memref<128x128xf32, #tpu.memory_space<vmem>>, %arg8: memref<1x128xf32, #tpu.memory_space<vmem>>, %arg9: memref<128x128xf32, #tpu.memory_space<vmem>>, %arg10: memref<1x128xf32, #tpu.memory_space<vmem>>, %arg11: memref<128x3xf32, #tpu.memory_space<vmem>>, %arg12: memref<1x3xf32, #tpu.memory_space<vmem>>, %arg13: memref<2048x128xf32, #tpu.memory_space<vmem>>) attributes {dimension_semantics = [#tpu.dimension_semantics<arbitrary>], iteration_bounds = array<i64: 5>, scalar_prefetch = 0 : i64, scratch_operands = 0 : i64, tpu.core_type = #tpu.core_type<tc>, window_params = [{transform_indices = @transform_0, window_bounds = array<i64: 2048, 128>}, {transform_indices = @transform_1, window_bounds = array<i64: 2048, 16>}, {transform_indices = @transform_2, window_bounds = array<i64: 2, 2048, 128>}, {transform_indices = @transform_3, window_bounds = array<i64: 2, 2048>}, {pipeline_mode = #tpu.pipeline_mode<synchronous>, transform_indices = @transform_4, window_bounds = array<i64: 128, 128>}, {pipeline_mode = #tpu.pipeline_mode<synchronous>, transform_indices = @transform_5, window_bounds = array<i64: 1, 128>}, {pipeline_mode = #tpu.pipeline_mode<synchronous>, transform_indices = @transform_6, window_bounds = array<i64: 128, 128>}, {pipeline_mode = #tpu.pipeline_mode<synchronous>, transform_indices = @transform_7, window_bounds = array<i64: 1, 128>}, {pipeline_mode = #tpu.pipeline_mode<synchronous>, transform_indices = @transform_8, window_bounds = array<i64: 128, 128>}, {pipeline_mode = #tpu.pipeline_mode<synchronous>, transform_indices = @transform_9, window_bounds = array<i64: 1, 128>}, {pipeline_mode = #tpu.pipeline_mode<synchronous>, transform_indices = @transform_10, window_bounds = array<i64: 128, 3>}, {pipeline_mode = #tpu.pipeline_mode<synchronous>, transform_indices = @transform_11, window_bounds = array<i64: 1, 3>}, {transform_indices = @transform_12, window_bounds = array<i64: 2048, 128>}]} {
    %get3A = arith.constant 0 : index
    %get3A_0 = arith.constant 0 : index
    %get3A_1 = vector.load %arg2[%get3A, %get3A_0] : memref<2048x16xf32, #tpu.memory_space<vmem>>, vector<2048x16xf32>
    %slice3A = vector.extract_strided_slice %get3A_1 {offsets = [0, 0], sizes = [2048, 1], strides = [1, 1]} : vector<2048x16xf32> to vector<2048x1xf32>
    %get3A_2 = arith.constant 0 : index
    %get3A_3 = arith.constant 0 : index
    %get3A_4 = arith.constant 0 : index
    %get3A_5 = vector.load %arg3[%get3A_2, %get3A_3, %get3A_4] : memref<2x2048x128xf32, #tpu.memory_space<vmem>>, vector<2x2048x128xf32>
    %get3A_6 = arith.constant 0 : index
    %get3A_7 = arith.constant 0 : index
    %get3A_8 = vector.load %arg1[%get3A_6, %get3A_7] : memref<2048x128xf32, #tpu.memory_space<vmem>>, vector<2048x128xf32>
    %slice3A_9 = vector.extract_strided_slice %get3A_5 {offsets = [0, 0, 0], sizes = [1, 2048, 128], strides = [1, 1, 1]} : vector<2x2048x128xf32> to vector<1x2048x128xf32>
    %squeeze3A = vector.shape_cast %slice3A_9 : vector<1x2048x128xf32> to vector<2048x128xf32>
    %slice3A_10 = vector.extract_strided_slice %get3A_5 {offsets = [1, 0, 0], sizes = [1, 2048, 128], strides = [1, 1, 1]} : vector<2x2048x128xf32> to vector<1x2048x128xf32>
    %squeeze3A_11 = vector.shape_cast %slice3A_10 : vector<1x2048x128xf32> to vector<2048x128xf32>
    %add3A = arith.addf %squeeze3A, %squeeze3A_11 : vector<2048x128xf32>
    %mul3A = vector.broadcast %slice3A : vector<2048x1xf32> to vector<2048x128xf32>
    %mul3A_12 = arith.mulf %mul3A, %get3A_8 : vector<2048x128xf32>
    %add3A_13 = arith.addf %add3A, %mul3A_12 : vector<2048x128xf32>
    %mul3A_14 = vector.broadcast %slice3A : vector<2048x1xf32> to vector<2048x128xf32>
    %mul3A_15 = arith.mulf %mul3A_14, %add3A_13 : vector<2048x128xf32>
    %get3A_16 = arith.constant 0 : index
    %get3A_17 = arith.constant 0 : index
    %get3A_18 = vector.load %arg4[%get3A_16, %get3A_17] : memref<2x2048xf32, #tpu.memory_space<vmem>>, vector<2x2048xf32>
    %broadcast_in_dim3A = arith.constant 1.000000e+00 : f32
    %broadcast_in_dim3A_19 = vector.broadcast %broadcast_in_dim3A : f32 to vector<2x1xf32>
    %dot_general3A = arith.constant dense<0.000000e+00> : vector<2048x1xf32>
    %dot_general3A_20 = tpu.matmul %get3A_18, %broadcast_in_dim3A_19, %dot_general3A {dimension_numbers = #tpu.dot_dimension_numbers<[0], [0], [1], [1], [0, 1, 1, 1], [], []>, transpose_lhs_hint = false} : vector<2x2048xf32>, vector<2x1xf32>, vector<2048x1xf32> -> vector<2048x1xf32>
    %add3A_21 = arith.addf %dot_general3A_20, %slice3A : vector<2048x1xf32>
    %mul3A_22 = arith.mulf %slice3A, %add3A_21 : vector<2048x1xf32>
    %get3A_23 = arith.constant 0 : index
    %get3A_24 = arith.constant 0 : index
    %get3A_25 = vector.load %arg5[%get3A_23, %get3A_24] : memref<128x128xf32, #tpu.memory_space<vmem>>, vector<128x128xf32>
    %dot_general3A_26 = arith.constant dense<0.000000e+00> : vector<2048x128xf32>
    %dot_general3A_27 = tpu.matmul %mul3A_15, %get3A_25, %dot_general3A_26 {dimension_numbers = #tpu.dot_dimension_numbers<[1], [0], [0], [1], [0, 0, 1, 1], [], []>, transpose_lhs_hint = false} : vector<2048x128xf32>, vector<128x128xf32>, vector<2048x128xf32> -> vector<2048x128xf32>
    %get3A_28 = arith.constant 0 : index
    %get3A_29 = arith.constant 0 : index
    %get3A_30 = vector.load %arg6[%get3A_28, %get3A_29] : memref<1x128xf32, #tpu.memory_space<vmem>>, vector<1x128xf32>
    %mul3A_31 = vector.broadcast %mul3A_22 : vector<2048x1xf32> to vector<2048x128xf32>
    %mul3A_32 = vector.broadcast %get3A_30 : vector<1x128xf32> to vector<2048x128xf32>
    %mul3A_33 = arith.mulf %mul3A_31, %mul3A_32 : vector<2048x128xf32>
    %add3A_34 = arith.addf %dot_general3A_27, %mul3A_33 : vector<2048x128xf32>
    %sub3A = arith.subf %get3A_8, %mul3A_15 : vector<2048x128xf32>
    %get3A_35 = arith.constant 0 : index
    %get3A_36 = arith.constant 0 : index
    %get3A_37 = vector.load %arg7[%get3A_35, %get3A_36] : memref<128x128xf32, #tpu.memory_space<vmem>>, vector<128x128xf32>
    %dot_general3A_38 = arith.constant dense<0.000000e+00> : vector<2048x128xf32>
    %dot_general3A_39 = tpu.matmul %sub3A, %get3A_37, %dot_general3A_38 {dimension_numbers = #tpu.dot_dimension_numbers<[1], [0], [0], [1], [0, 0, 1, 1], [], []>, transpose_lhs_hint = false} : vector<2048x128xf32>, vector<128x128xf32>, vector<2048x128xf32> -> vector<2048x128xf32>
    %sub3A_40 = arith.constant 1.000000e+00 : f32
    %sub3A_41 = vector.broadcast %sub3A_40 : f32 to vector<2048x1xf32>
    %sub3A_42 = arith.subf %sub3A_41, %mul3A_22 : vector<2048x1xf32>
    %get3A_43 = arith.constant 0 : index
    %get3A_44 = arith.constant 0 : index
    %get3A_45 = vector.load %arg8[%get3A_43, %get3A_44] : memref<1x128xf32, #tpu.memory_space<vmem>>, vector<1x128xf32>
    %mul3A_46 = vector.broadcast %sub3A_42 : vector<2048x1xf32> to vector<2048x128xf32>
    %mul3A_47 = vector.broadcast %get3A_45 : vector<1x128xf32> to vector<2048x128xf32>
    %mul3A_48 = arith.mulf %mul3A_46, %mul3A_47 : vector<2048x128xf32>
    %add3A_49 = arith.addf %dot_general3A_39, %mul3A_48 : vector<2048x128xf32>
    %get3A_50 = arith.constant 0 : index
    %get3A_51 = arith.constant 0 : index
    %get3A_52 = vector.load %arg9[%get3A_50, %get3A_51] : memref<128x128xf32, #tpu.memory_space<vmem>>, vector<128x128xf32>
    %dot_general3A_53 = arith.constant dense<0.000000e+00> : vector<2048x128xf32>
    %dot_general3A_54 = tpu.matmul %get3A_8, %get3A_52, %dot_general3A_53 {dimension_numbers = #tpu.dot_dimension_numbers<[1], [0], [0], [1], [0, 0, 1, 1], [], []>, transpose_lhs_hint = false} : vector<2048x128xf32>, vector<128x128xf32>, vector<2048x128xf32> -> vector<2048x128xf32>
    %get3A_55 = arith.constant 0 : index
    %get3A_56 = arith.constant 0 : index
    %get3A_57 = vector.load %arg10[%get3A_55, %get3A_56] : memref<1x128xf32, #tpu.memory_space<vmem>>, vector<1x128xf32>
    %add3A_58 = vector.broadcast %get3A_57 : vector<1x128xf32> to vector<2048x128xf32>
    %add3A_59 = arith.addf %dot_general3A_54, %add3A_58 : vector<2048x128xf32>
    %get3A_60 = arith.constant 0 : index
    %get3A_61 = arith.constant 0 : index
    %get3A_62 = vector.load %arg11[%get3A_60, %get3A_61] : memref<128x3xf32, #tpu.memory_space<vmem>>, vector<128x3xf32>
    %dot_general3A_63 = arith.constant dense<0.000000e+00> : vector<2048x3xf32>
    %dot_general3A_64 = tpu.matmul %get3A_8, %get3A_62, %dot_general3A_63 {dimension_numbers = #tpu.dot_dimension_numbers<[1], [0], [0], [1], [0, 0, 1, 1], [], []>, transpose_lhs_hint = false} : vector<2048x128xf32>, vector<128x3xf32>, vector<2048x3xf32> -> vector<2048x3xf32>
    %get3A_65 = arith.constant 0 : index
    %get3A_66 = arith.constant 0 : index
    %get3A_67 = vector.load %arg12[%get3A_65, %get3A_66] : memref<1x3xf32, #tpu.memory_space<vmem>>, vector<1x3xf32>
    %add3A_68 = vector.broadcast %get3A_67 : vector<1x3xf32> to vector<2048x3xf32>
    %add3A_69 = arith.addf %dot_general3A_64, %add3A_68 : vector<2048x3xf32>
    %reduce_max3A = arith.constant dense<0xFF800000> : vector<2048xf32>
    %reduce_max3A_70 = vector.multi_reduction <maximumf>, %add3A_69, %reduce_max3A [1] : vector<2048x3xf32> to vector<2048xf32>
    %broadcast_in_dim3A_71 = vector.shape_cast %reduce_max3A_70 : vector<2048xf32> to vector<2048x1xf32>
    %sub3A_72 = vector.broadcast %broadcast_in_dim3A_71 : vector<2048x1xf32> to vector<2048x3xf32>
    %sub3A_73 = arith.subf %add3A_69, %sub3A_72 : vector<2048x3xf32>
    %exp3A = math.exp %sub3A_73 : vector<2048x3xf32>
    %reduce_sum3A = arith.constant dense<0.000000e+00> : vector<2048xf32>
    %reduce_sum3A_74 = vector.multi_reduction <add>, %exp3A, %reduce_sum3A [1] : vector<2048x3xf32> to vector<2048xf32>
    %broadcast_in_dim3A_75 = vector.shape_cast %reduce_sum3A_74 : vector<2048xf32> to vector<2048x1xf32>
    %div3A = vector.broadcast %broadcast_in_dim3A_75 : vector<2048x1xf32> to vector<2048x3xf32>
    %div3A_76 = arith.divf %exp3A, %div3A : vector<2048x3xf32>
    %slice3A_77 = vector.extract_strided_slice %div3A_76 {offsets = [0, 0], sizes = [2048, 1], strides = [1, 1]} : vector<2048x3xf32> to vector<2048x1xf32>
    %mul3A_78 = vector.broadcast %slice3A_77 : vector<2048x1xf32> to vector<2048x128xf32>
    %mul3A_79 = arith.mulf %mul3A_78, %add3A_34 : vector<2048x128xf32>
    %slice3A_80 = vector.extract_strided_slice %div3A_76 {offsets = [0, 1], sizes = [2048, 1], strides = [1, 1]} : vector<2048x3xf32> to vector<2048x1xf32>
    %mul3A_81 = vector.broadcast %slice3A_80 : vector<2048x1xf32> to vector<2048x128xf32>
    %mul3A_82 = arith.mulf %mul3A_81, %add3A_49 : vector<2048x128xf32>
    %add3A_83 = arith.addf %mul3A_79, %mul3A_82 : vector<2048x128xf32>
    %slice3A_84 = vector.extract_strided_slice %div3A_76 {offsets = [0, 2], sizes = [2048, 1], strides = [1, 1]} : vector<2048x3xf32> to vector<2048x1xf32>
    %mul3A_85 = vector.broadcast %slice3A_84 : vector<2048x1xf32> to vector<2048x128xf32>
    %mul3A_86 = arith.mulf %mul3A_85, %add3A_59 : vector<2048x128xf32>
    %add3A_87 = arith.addf %add3A_83, %mul3A_86 : vector<2048x128xf32>
    %swap3A = arith.constant 0 : index
    %swap3A_88 = arith.constant 0 : index
    %swap3A_89 = vector.load %arg13[%swap3A, %swap3A_88] : memref<2048x128xf32, #tpu.memory_space<vmem>>, vector<2048x128xf32>
    tpu.vector_store %arg13[%swap3A, %swap3A_88], %add3A_87 {strides = array<i32>} : memref<2048x128xf32, #tpu.memory_space<vmem>>, vector<2048x128xf32>,
    return
  }
  func.func @transform_0(%arg0: i32) -> (i32, i32) {
    %c0_i32 = arith.constant 0 : i32
    %c0_i32_0 = arith.constant 0 : i32
    return %arg0, %c0_i32 : i32, i32
  }
  func.func @transform_1(%arg0: i32) -> (i32, i32) {
    %c0_i32 = arith.constant 0 : i32
    %c0_i32_0 = arith.constant 0 : i32
    return %arg0, %c0_i32 : i32, i32
  }
  func.func @transform_2(%arg0: i32) -> (i32, i32, i32) {
    %c0_i32 = arith.constant 0 : i32
    %c0_i32_0 = arith.constant 0 : i32
    %c0_i32_1 = arith.constant 0 : i32
    return %c0_i32, %arg0, %c0_i32_0 : i32, i32, i32
  }
  func.func @transform_3(%arg0: i32) -> (i32, i32) {
    %c0_i32 = arith.constant 0 : i32
    %c0_i32_0 = arith.constant 0 : i32
    return %c0_i32, %arg0 : i32, i32
  }
  func.func @transform_4(%arg0: i32) -> (i32, i32) {
    %c0_i32 = arith.constant 0 : i32
    %c0_i32_0 = arith.constant 0 : i32
    %c0_i32_1 = arith.constant 0 : i32
    return %c0_i32, %c0_i32_0 : i32, i32
  }
  func.func @transform_5(%arg0: i32) -> (i32, i32) {
    %c0_i32 = arith.constant 0 : i32
    %c0_i32_0 = arith.constant 0 : i32
    %c0_i32_1 = arith.constant 0 : i32
    return %c0_i32, %c0_i32_0 : i32, i32
  }
  func.func @transform_6(%arg0: i32) -> (i32, i32) {
    %c0_i32 = arith.constant 0 : i32
    %c0_i32_0 = arith.constant 0 : i32
    %c0_i32_1 = arith.constant 0 : i32
    return %c0_i32, %c0_i32_0 : i32, i32
  }
  func.func @transform_7(%arg0: i32) -> (i32, i32) {
    %c0_i32 = arith.constant 0 : i32
    %c0_i32_0 = arith.constant 0 : i32
    %c0_i32_1 = arith.constant 0 : i32
    return %c0_i32, %c0_i32_0 : i32, i32
  }
  func.func @transform_8(%arg0: i32) -> (i32, i32) {
    %c0_i32 = arith.constant 0 : i32
    %c0_i32_0 = arith.constant 0 : i32
    %c0_i32_1 = arith.constant 0 : i32
    return %c0_i32, %c0_i32_0 : i32, i32
  }
  func.func @transform_9(%arg0: i32) -> (i32, i32) {
    %c0_i32 = arith.constant 0 : i32
    %c0_i32_0 = arith.constant 0 : i32
    %c0_i32_1 = arith.constant 0 : i32
    return %c0_i32, %c0_i32_0 : i32, i32
  }
  func.func @transform_10(%arg0: i32) -> (i32, i32) {
    %c0_i32 = arith.constant 0 : i32
    %c0_i32_0 = arith.constant 0 : i32
    %c0_i32_1 = arith.constant 0 : i32
    return %c0_i32, %c0_i32_0 : i32, i32
  }
  func.func @transform_11(%arg0: i32) -> (i32, i32) {
    %c0_i32 = arith.constant 0 : i32
    %c0_i32_0 = arith.constant 0 : i32
    %c0_i32_1 = arith.constant 0 : i32
    return %c0_i32, %c0_i32_0 : i32, i32
  }
  func.func @transform_12(%arg0: i32) -> (i32, i32) {
    %c0_i32 = arith.constant 0 : i32
    %c0_i32_0 = arith.constant 0 : i32
    return %arg0, %c0_i32 : i32, i32
  }
}

</mosaic_0001>

<sc_bundles>
// kernel: kernel.6.cloned.1.call-start
scs
__scs_entry_jumppad:
0x0: {  	(pc) =	sbr.rel $0x88, $3  }
0x1: {  	(tag) =	ssettag $0x0;
	lr =	simm.s32 $0x1  }
0x2: {  	[smem:$0x3F97] =	sst lr;
	_ =	strace $0xD0000000  }
0x3: {  	_ = 	snop  }
0x4: {  	_ = 	snop  }
0x5: {  	_ = 	snop  }
0x6: {  	_ = 	snop  }
0x7: {  	_ = 	snop  }
__scs_overlays_trampoline_lowered:
0x8: {  	[smem:$0x3FA6] =	sst s0  }
0x9: {  	[smem:$0x3FA7] =	sst s1  }
0xa: {  	[smem:$0x3FA8] =	sst s2  }
0xb: {  	[smem:$0x3FA9] =	sst s3  }
0xc: {  	[smem:$0x3FAA] =	sst s4  }
0xd: {  	[smem:$0x3FAB] =	sst s5  }
0xe: {  	[smem:$0x3FAC] =	sst s6  }
0xf: {  	[smem:$0x3FAD] =	sst s7  }
0x10: {  	[smem:$0x3FAE] =	sst s8  }
0x11: {  	[smem:$0x3FAF] =	sst s9;
	s0 =	simm.s32 @!p0 $0x0  }
0x12: {  	s1 =	sld [smem:$0x3F95];
	s0 =	simm.s32 @p0 $0x1  }
0x13: {  	[smem:$0x3FB0] =	sst s0;
	s0 =	simm.s32 @!p1 $0x0  }
0x14: {  	s2 =	sld [smem:$0x3F94];
	s0 =	simm.s32 @p1 $0x1  }
0x15: {  	[smem:$0x3FB1] =	sst s0;
	s0 =	simm.s32 @!p2 $0x0  }
0x16: {  	s3 =	sld [smem:$0x3FDB];
	s0 =	simm.s32 @p2 $0x1  }
0x17: {  	s4 =	simm.s32 $0x1BF5;
	[smem:$0x3FB3] =	sst s0  }
0x18: {  	s0 =	sld [smem:$0x3F96];
	_ =	swait.ge [sflag:s4], $0x0  }
0x19: {  	s7 =	sld [smem:$0x3F97]  }
0x1a: {  	s8 =	sadd.s32 $0xFFFFE003, lr  }
0x1b: {  	s9 =	sadd.s32 $0xFFFFFEF7, lr;
	s5 =	simm.s32 $0xFFFFFFFF;
	p2 =	slt.u32 s8, $0xFFFFF086  }
0x1c: {  	p1 =	slt.u32 s9, $0xF7A;
	s5 =	simm.s32 @!p2 $0x0  }
0x1d: {  	s5 =	simm.s32 @p1 $0x1;
	p0 =	seq.s32 s7, s2  }
0x1e: {  	s7 =	smul.u32 @!p0 $0xF7A, s2;
	p2 =	seq.s32 @!p0 s5, $0x0  }
0x1f: {  	s9 =	smul.u32 $0xF7A, s1;
	s8 =	simm.s32 @!p0 $0x1BF5;
	p2 =	por !p2, p0  }
0x20: {  	[sflag:s8] =	ssyncset.s32 @!p0 $0xFFFFF086;
	s6 =	sadd.s32 @!p0 s3, s7;
	s7 =	simm.s32 @!p0 $0x108  }
0x21: {  	s3 =	sadd.s32 s3, s9;
	s6 =	sadd.s32 @!p0 $0x88, s6;
	s7 =	simm.s32 @p2 $0x1082  }
0x22: {  	[simem:s7], [sflag:s8] =	dma.local @!p0 [hbm:s6], $0xF7A  }
0x23: {  	s9 =	sor.u32 $0xD0000000, s2;
	s6 =	simm.s32 $0x108;
	_ =	swait.ge @!p0 [sflag:s8], $0x0  }
0x24: {  	s3 =	sadd.s32 $0x88, s3;
	s6 =	simm.s32 @!p1 $0x1082;
	[sflag:s4] =	ssyncset.s32 $0xFFFFF086  }
0x25: {  	[simem:s6], [sflag:s4] =	dma.local [hbm:s3], $0xF7A  }
0x26: {  	[smem:$0x3F97] =	sst s1;
	(tag) =	ssettag s2;
	_ =	strace s9  }
0x27: {  	s1 =	sld [smem:$0x3FA7]  }
0x28: {  	s2 =	sld [smem:$0x3FA8]  }
0x29: {  	s4 =	sld [smem:$0x3FAA]  }
0x2a: {  	p0 =	seq.s32 s5, $0x0;
	s5 =	sld [smem:$0x3FAB]  }
0x2b: {  	s6 =	sld [smem:$0x3FAC]  }
0x2c: {  	s7 =	sld [smem:$0x3FAD]  }
0x2d: {  	s3 =	simm.s32 $0x108;
	s8 =	sld [smem:$0x3FAE]  }
0x2e: {  	s3 =	simm.s32 @!p0 $0x1082;
	s9 =	sld [smem:$0x3FAF]  }
0x2f: {  	lr =	sadd.s32 s0, s3;
	s0 =	sld [smem:$0x3FA6]  }
0x30: {  	s3 =	sld [smem:$0x3FA9]  }
0x31: {  	[smem:$0x3FB2] =	sst s10  }
0x32: {  	s10 =	sld [smem:$0x3FB0];
	_ =	sdelay $0x3  }
0x33: {  	p0 =	seq.s32 s10, $0x1;
	s10 =	sld [smem:$0x3FB2];
	_ =	sdelay $0x3  }
0x34: {  	[smem:$0x3FB2] =	sst s10  }
0x35: {  	s10 =	sld [smem:$0x3FB1];
	_ =	sdelay $0x3  }
0x36: {  	p1 =	seq.s32 s10, $0x1;
	s10 =	sld [smem:$0x3FB2];
	_ =	sdelay $0x3  }
0x37: {  	[smem:$0x3FB2] =	sst s10  }
0x38: {  	s10 =	sld [smem:$0x3FB3]  }
0x39: {  	_ = 	snop;
	(pc) =	sbr.ind lr, $3  }
0x3a: {  	_ = 	snop  }
0x3b: {  	_ = 	snop  }
0x3c: {  	p2 =	seq.s32 s10, $0x1;
	s10 =	sld [smem:$0x3FB2]  }
0x3d: {  	_ =	shalt  }
0x3e: {  	_ =	shalt  }
0x3f: {  	_ =	shalt  }
0x40: {  	_ =	shalt  }
0x41: {  	_ =	shalt  }
0x42: {  	_ =	shalt  }
0x43: {  	_ =	shalt  }
0x44: {  	_ =	shalt  }
0x45: {  	_ =	shalt  }
0x46: {  	_ =	shalt  }
0x47: {  	_ =	shalt  }
0x48: {  	_ =	shalt  }
0x49: {  	_ =	shalt  }
0x4a: {  	_ =	shalt  }
0x4b: {  	_ =	shalt  }
0x4c: {  	_ =	shalt  }
0x4d: {  	_ =	shalt  }
0x4e: {  	_ =	shalt  }
0x4f: {  	_ =	shalt  }
0x50: {  	_ =	shalt  }
0x51: {  	_ =	shalt  }
0x52: {  	_ =	shalt  }
0x53: {  	_ =	shalt  }
0x54: {  	_ =	shalt  }
0x55: {  	_ =	shalt  }
0x56: {  	_ =	shalt  }
0x57: {  	_ =	shalt  }
0x58: {  	_ =	shalt  }
0x59: {  	_ =	shalt  }
0x5a: {  	_ =	shalt  }
0x5b: {  	_ =	shalt  }
0x5c: {  	_ =	shalt  }
0x5d: {  	_ =	shalt  }
0x5e: {  	_ =	shalt  }
0x5f: {  	_ =	shalt  }
0x60: {  	_ =	shalt  }
0x61: {  	_ =	shalt  }
0x62: {  	_ =	shalt  }
0x63: {  	_ =	shalt  }
0x64: {  	_ =	shalt  }
0x65: {  	_ =	shalt  }
0x66: {  	_ =	shalt  }
0x67: {  	_ =	shalt  }
0x68: {  	_ =	shalt  }
0x69: {  	_ =	shalt  }
0x6a: {  	_ =	shalt  }
0x6b: {  	_ =	shalt  }
0x6c: {  	_ =	shalt  }
0x6d: {  	_ =	shalt  }
0x6e: {  	_ =	shalt  }
0x6f: {  	_ =	shalt  }
0x70: {  	_ =	shalt  }
0x71: {  	_ =	shalt  }
0x72: {  	_ =	shalt  }
0x73: {  	_ =	shalt  }
0x74: {  	_ =	shalt  }
0x75: {  	_ =	shalt  }
0x76: {  	_ =	shalt  }
0x77: {  	_ =	shalt  }
0x78: {  	_ =	shalt  }
0x79: {  	_ =	shalt  }
0x7a: {  	_ =	shalt  }
0x7b: {  	_ =	shalt  }
0x7c: {  	_ =	shalt  }
0x7d: {  	_ =	shalt  }
0x7e: {  	_ =	shalt  }
0x7f: {  	_ =	shalt  }
0x80: {  	_ =	shalt  }
0x81: {  	_ =	shalt  }
0x82: {  	_ =	shalt  }
0x83: {  	_ =	shalt  }
0x84: {  	_ =	shalt  }
0x85: {  	_ =	shalt  }
0x86: {  	_ =	shalt  }
0x87: {  	_ =	shalt  }
.Lfunc_end0:
.L_simem_size_0:
called_computation_lowered:
.L_overlay_start_0:
0x88: {  	s2 =	sld [smem:$0x3FD9]  }
0x89: {  	s3 =	sld [smem:$0x3FFE];
	_ =	sdelay $0x1  }
0x8a: {  	s1 =	srdreg.scid  }
0x8b: {  	s0 =	sand.u32 $0x1, s1  }
0x8c: {  	s17 =	sshll.u32 s0, $0xA;
	s2 =	sadd.s32 s3, s2  }
0x8d: {  	s2 =	sadd.s32 s2, s17  }
0x8e: {  	[smem:$0x3FBE] =	sst s2  }
0x8f: {  	_ = 	snop  }
0x90: {  	s2 =	sld [smem:$0x3FD0];
	(tm) =	ssettm $0x1  }
0x91: {  	s18 =	sld [smem:$0x3FFB];
	_ =	sdelay $0x3  }
0x92: {  	_ =	strace s18  }
0x93: {  	s3 =	sld [smem:$0x3FFC];
	_ =	sdelay $0x3  }
0x94: {  	_ =	strace s3  }
0x95: {  	s3 =	sld [smem:$0x3FFD];
	_ =	sdelay $0x3  }
0x96: {  	_ =	strace s3  }
0x97: {  	_ =	strace $0x8FFFFFFF  }
0x98: {  	s19 =	sld [smem:$0x3FDB];
	_ =	sdelay $0x1  }
0x99: {  	s4 =	simm.s32 $_scs_section_size  }
0x9a: {  	s5 =	simm.s32 $_size__tile_overlayer_lowered;
	s6 =	simm.s32 $_tile_overlayer_lowered  }
0x9b: {  	s22 =	simm.s32 $0x1BFF;
	s21 =	sshll.u32 s6, $0x1;
	s3 =	sadd.s32 s4, s19  }
0x9c: {  	s7 =	simm.s32 $0x0;
	s20 =	sshll.u32 s5, $0x1;
	s5 =	sadd.s32 s21, s3  }
0x9d: {  	[timem:s7], [sflag:s22] =	dma.local [hbm:s5], s20  }
0x9e: {  	_ =	swait.ge [sflag:s22], s20  }
0x9f: {  	s4 =	ssub.s32 $0x0, s20;
	[sflag:s22] =	ssyncset.done $0x0  }
0xa0: {  	[sflag:s22] =	ssyncadd.s32 s4;
	_ =	sdelay $0x1  }
0xa1: {  	s23 =	simm.s32 $0x1B8B  }
0xa2: {  	_ =	swait.ge [sflag:s23], $0x1  }
0xa3: {  	[sflag:s23] =	ssyncset.done $0x0  }
0xa4: {  	s25 =	simm.s32 $0x1B8E;
	s24 =	sld [smem:$0x3FFE];
	[sflag:s23] =	ssyncadd.s32 $0xFFFFFFFF  }
0xa5: {  	s26 =	simm.s32 $execute0_lowered;
	[smem:$0x3FD2] =	sst s25  }
0xa6: {  	s5 =	sshll.u32 s26, $0x1;
	_ =	strace $0x80000046;
	[dreg:$0x1] =	wrdreg $0xFFFFFFFF  }
0xa7: {  	s28 =	simm.s32 $_size_execute0_lowered;
	s3 =	sadd.s32 s3, s5;
	[dreg:$0x0] =	wrdreg $0x0  }
0xa8: {  	s5 =	sshll.u32 s28, $0x1;
	[dreg:$0x2] =	wrdreg s3  }
0xa9: {  	[dreg:$0x3] =	wrdreg s5  }
0xaa: {  	[dreg:$0x4] =	wrdreg $0xC0  }
0xab: {  	_ =	task [dreg:s7], $0x5FFFF  }
0xac: {  	[dreg:$0x1] =	wrdreg $0xFFFFFFFF  }
0xad: {  	[dreg:$0x0] =	wrdreg $0x60  }
0xae: {  	[dreg:$0x2] =	wrdreg s2  }
0xaf: {  	[dreg:$0x3] =	wrdreg s24  }
0xb0: {  	[dreg:$0x4] =	wrdreg $0xD180  }
0xb1: {  	[dreg:$0x5] =	wrdreg $0x9  }
0xb2: {  	_ =	task.clear_ibuf [dreg:s7], $0x6FFFF;
	_ =	strace $0x90000046  }
0xb3: {  	s29 =	simm.s32 $0x9;
	_ =	strace $0x80000048  }
0xb4: {  	_ =	swait.ge [sflag:s29], $0x1  }
0xb5: {  	[sflag:s29] =	ssyncadd.s32 $0xFFFFFFFF  }
0xb6: {  	_ =	strace $0x90000048  }
0xb7: {  	_ =	sfence  }
0xb8: {  	s30 =	sld [smem:$0x0];
	_ =	sdelay $0x2  }
0xb9: {  	s31 =	sshll.u32 s1, $0xD;
	s1 =	sshrl.u32 s1, $0x2  }
0xba: {  	s3 =	sand.u32 $0x4000, s31;
	s1 =	sadd.s32 s1, s30  }
0xbb: {  	s0 =	sor.u32 s3, s0;
	s1 =	sshll.u32 s1, $0x11  }
0xbc: {  	s0 =	sor.u32 s1, s0  }
0xbd: {  	s0 =	sadd.s32 $0x8F2B, s0  }
0xbe: {  	[sflag:s0] =	ssyncadd.remote.s32 $0x1  }
0xbf: {  	_ =	sfence.sel $0xFFFF  }
0xc0: {  	[dreg:$0x0] =	wrdreg $0xFFFFFFFF;
	(pc) =	sbr.abs _section_cstart, $3  }
0xc1: {  	[dreg:$0x1] =	wrdreg $0xFFFFFFFF  }
0xc2: {  	_ =	task.clear_ibuf [dreg:s7], $0x2FFFF;
	_ =	strace $0x9FFFFFFF  }
0xc3: {  	(tm) =	ssettm $0x7FFFFFFF  }
tec
execute0_lowered:
.L_overlay_start_1:
0x0: {  	(tag) =	ssettag $0x1  }
0x1: {  	s0 =	rddreg [dreg:$0x0]  }
0x2: {  	s1 =	rddreg [dreg:$0x1]  }
0x3: {  	s3 =	srdreg.scid;
	s8 =	stileid.u32  }
0x4: {  	s2 =	rddreg [dreg:$0x2];
	s25 =	simm.s32 $0x68;
	s26 =	simm.s32 $0xD0  }
0x5: {  	s9 =	simm.s32 $0x64;
	s10 =	simm.s32 $0xA28;
	s12 =	simm.s32 $0x1A0  }
0x6: {  	s13 =	simm.s32 $0x208;
	s14 =	simm.s32 $0x270;
	s15 =	simm.s32 $0x2D8  }
0x7: {  	s16 =	simm.s32 $0x340;
	s17 =	simm.s32 $0x3A8;
	s18 =	simm.s32 $0x410  }
0x8: {  	s19 =	simm.s32 $0x478;
	s20 =	simm.s32 $0x4E0;
	s21 =	simm.s32 $0x548  }
0x9: {  	s22 =	simm.s32 $0x5B0;
	s28 =	simm.s32 $0x7B8;
	s29 =	simm.s32 $0x820  }
0xa: {  	s30 =	simm.s32 $0x888;
	s31 =	simm.s32 $0x8F0;
	s5 =	smul.u32 $0x280, s8  }
0xb: {  	s4 =	sand.u32 $0x1, s3;
	s3 =	simm.s32 $0x0;
	s8 =	smul.u32 $0x514, s8  }
0xc: {  	s6 =	smul.u32 $0x2800, s4;
	[smem:$0x7FF] =	sst s3;
	s7 =	ssub.s32 $0x2, s4  }
0xd: {  	s4 =	smul.u32 $0x5140, s4;
	_ =	strace $0x80000047;
	[dreg:$0x5] =	wrdreg s25  }
0xe: {  	s23 =	sshrl.u32 s7, $0x1;
	s11 =	sadd.s32 s5, s2;
	[dreg:$0x6] =	wrdreg s26  }
0xf: {  	s25 =	simm.s32 $0x6E8;
	s26 =	simm.s32 $0x750;
	s6 =	sadd.s32 s5, s6  }
0x10: {  	s0 =	sadd.s32 s4, s0;
	s5 =	simm.s32 $0x0;
	[dreg:$0x7] =	wrdreg s11  }
0x11: {  	s6 =	sshrl.u32 s6, $0x3;
	s0 =	sadd.s32 s8, s0;
	s8 =	simm.s32 $0x2  }
0x12: {  	s1 =	sadd.s32 s6, s1;
	s6 =	ssub.s32 s7, s23;
	[dreg:$0x4] =	wrdreg s0  }
0x13: {  	s23 =	simm.s32 $0x618;
	s7 =	simm.s32 $0x9C0;
	s1 =	sadd.s32 $0x2600, s1  }
0x14: {  	s0 =	simm.s32 $0x1;
	s24 =	smax.u32 s6, $0x1;
	[dreg:$0x8] =	wrdreg s1  }
0x15: {  	v0 =	vimm.f32 $1.000000000e+00;
	v1 =	vimm.f32 $0.0e+00;
	[dreg:$0x9] =	wrdreg s24;
	s24 =	simm.s32 $0x680;
	s1 =	simm.s32 $0x958  }
.LBB2_1:
0x16: {  	[tilespmem:$0xA28] =	vst v0  }
0x17: {  	[tilespmem:$0xA38] =	vst v0  }
0x18: {  	[tilespmem:$0xA48] =	vst v0  }
0x19: {  	[tilespmem:$0xA58] =	vst v0  }
0x1a: {  	[tilespmem:$0xA68] =	vst v0  }
0x1b: {  	[tilespmem:$0xA78] =	vst v0  }
0x1c: {  	[tilespmem:$0xA88] =	vst v0  }
0x1d: {  	[tilespmem:$0xA98] =	vst v1  }
0x1e: {  	[tilespmem:$0xAA8] =	vst v1  }
0x1f: {  	[tilespmem:$0xAB8] =	vst v1  }
0x20: {  	[tilespmem:$0xAC8] =	vst v1  }
0x21: {  	[tilespmem:$0xAD8] =	vst v1  }
0x22: {  	[tilespmem:$0xAE8] =	vst v1  }
0x23: {  	[tilespmem:$0xAF8] =	vst v1  }
0x24: {  	[tilespmem:$0xB08] =	vst v1  }
0x25: {  	[tilespmem:$0xB18] =	vst v1  }
0x26: {  	[tilespmem:$0xB28] =	vst v1  }
0x27: {  	[tilespmem:$0xB38] =	vst v1  }
0x28: {  	[tilespmem:$0xB48] =	vst v1  }
0x29: {  	[tilespmem:$0xB58] =	vst v1  }
0x2a: {  	[tilespmem:$0xB68] =	vst v1  }
0x2b: {  	[tilespmem:$0xB78] =	vst v1  }
0x2c: {  	[tilespmem:$0xB88] =	vst v1  }
0x2d: {  	[tilespmem:$0xB98] =	vst v1  }
0x2e: {  	[tilespmem:$0xBA8] =	vst v1  }
0x2f: {  	[tilespmem:$0xBB8] =	vst v1  }
0x30: {  	[tilespmem:$0xBC8] =	vst v1  }
0x31: {  	[tilespmem:$0xBD8] =	vst v1  }
0x32: {  	[tilespmem:$0xBE8] =	vst v1  }
0x33: {  	[tilespmem:$0xBF8] =	vst v1  }
0x34: {  	[tilespmem:$0xC08] =	vst v1  }
0x35: {  	[tilespmem:$0xC18] =	vst v1  }
0x36: {  	[tilespmem:$0xC28] =	vst v1  }
0x37: {  	[tilespmem:$0xC38] =	vst v1  }
0x38: {  	[tilespmem:$0xC48] =	vst v1  }
0x39: {  	[tilespmem:$0xC58] =	vst v1  }
0x3a: {  	[tilespmem:$0xC68] =	vst v1  }
0x3b: {  	[tilespmem:$0xC78] =	vst v1  }
0x3c: {  	[tilespmem:$0xC88] =	vst v1  }
0x3d: {  	[tilespmem:$0xC98] =	vst v1  }
0x3e: {  	[tilespmem:$0xCA8] =	vst v1  }
0x3f: {  	[tilespmem:$0xCB8] =	vst v1  }
0x40: {  	[tilespmem:$0xCC8] =	vst v1  }
0x41: {  	[tilespmem:$0xCD8] =	vst v1  }
0x42: {  	[tilespmem:$0xCE8] =	vst v1  }
0x43: {  	[tilespmem:$0xCF8] =	vst v1  }
0x44: {  	[dreg:$0xa] =	wrdreg s5;
	[tilespmem:$0xD08] =	vst v1;
	s4 =	simm.s32 $0xA98  }
0x45: {  	[spmem:s11] =	stream.linear.scatter [tilespmem:s4], [sflag:$0x2], $0x280, $0x38;
	[tilespmem:$0xF98] =	vst v63  }
0x46: {  	_ =	swait.ge [sflag:s8], $0x280  }
0x47: {  	[sflag:s8] =	ssyncset.done $0x0  }
0x48: {  	[sflag:s8] =	ssyncadd.s32 $0xFFFFFD80  }
0x49: {  	[bflag:$0x0] =	sbarrier.arrive $0xFFFF  }
0x4a: {  	s11 =	rddreg [dreg:$0x4]  }
0x4b: {  	s4 =	sadd.s32 $0x0, s11  }
0x4c: {  	[tilespmem:s3], [sflag:$0x2] =	stream.linear.gather [hbm4b:s4+s3], $0xA28, $0x38;
	[tilespmem:$0xF98] =	vst v63  }
0x4d: {  	_ =	swait.ge [sflag:s8], $0xA28  }
0x4e: {  	[sflag:s8] =	ssyncset.done $0x0  }
0x4f: {  	[sflag:s8] =	ssyncadd.s32 $0xFFFFF5D8  }
0x50: {  	[spmem:s2] =	stream.indirect.scatter.add.f32 [tilespmem:s10], [sflag:$0x1], $0x1, s3, s9, $0xb8;
	[tilespmem:$0xF98] =	vst v63  }
0x51: {  	s5 =	rddreg [dreg:$0x5]  }
0x52: {  	[spmem:s2] =	stream.indirect.scatter.add.f32 [tilespmem:s10], [sflag:$0x1], $0x1, s5, s9, $0xb8;
	[tilespmem:$0xF98] =	vst v63  }
0x53: {  	s6 =	rddreg [dreg:$0x6]  }
0x54: {  	[spmem:s2] =	stream.indirect.scatter.add.f32 [tilespmem:s10], [sflag:$0x1], $0x1, s6, s9, $0xb8;
	[tilespmem:$0xF98] =	vst v63  }
0x55: {  	s11 =	simm.s32 $0x138  }
0x56: {  	[spmem:s2] =	stream.indirect.scatter.add.f32 [tilespmem:s10], [sflag:$0x1], $0x1, s11, s9, $0xb8;
	[tilespmem:$0xF98] =	vst v63  }
0x57: {  	_ = 	snop  }
0x58: {  	[spmem:s2] =	stream.indirect.scatter.add.f32 [tilespmem:s10], [sflag:$0x1], $0x1, s12, s9, $0xb8;
	[tilespmem:$0xF98] =	vst v63  }
0x59: {  	_ = 	snop  }
0x5a: {  	[spmem:s2] =	stream.indirect.scatter.add.f32 [tilespmem:s10], [sflag:$0x1], $0x1, s13, s9, $0xb8;
	[tilespmem:$0xF98] =	vst v63  }
0x5b: {  	_ = 	snop  }
0x5c: {  	[spmem:s2] =	stream.indirect.scatter.add.f32 [tilespmem:s10], [sflag:$0x1], $0x1, s14, s9, $0xb8;
	[tilespmem:$0xF98] =	vst v63  }
0x5d: {  	_ = 	snop  }
0x5e: {  	[spmem:s2] =	stream.indirect.scatter.add.f32 [tilespmem:s10], [sflag:$0x1], $0x1, s15, s9, $0xb8;
	[tilespmem:$0xF98] =	vst v63  }
0x5f: {  	_ = 	snop  }
0x60: {  	[spmem:s2] =	stream.indirect.scatter.add.f32 [tilespmem:s10], [sflag:$0x1], $0x1, s16, s9, $0xb8;
	[tilespmem:$0xF98] =	vst v63  }
0x61: {  	_ = 	snop  }
0x62: {  	[spmem:s2] =	stream.indirect.scatter.add.f32 [tilespmem:s10], [sflag:$0x1], $0x1, s17, s9, $0xb8;
	[tilespmem:$0xF98] =	vst v63  }
0x63: {  	_ = 	snop  }
0x64: {  	[spmem:s2] =	stream.indirect.scatter.add.f32 [tilespmem:s10], [sflag:$0x1], $0x1, s18, s9, $0xb8;
	[tilespmem:$0xF98] =	vst v63  }
0x65: {  	_ = 	snop  }
0x66: {  	[spmem:s2] =	stream.indirect.scatter.add.f32 [tilespmem:s10], [sflag:$0x1], $0x1, s19, s9, $0xb8;
	[tilespmem:$0xF98] =	vst v63  }
0x67: {  	_ = 	snop  }
0x68: {  	[spmem:s2] =	stream.indirect.scatter.add.f32 [tilespmem:s10], [sflag:$0x1], $0x1, s20, s9, $0xb8;
	[tilespmem:$0xF98] =	vst v63  }
0x69: {  	_ = 	snop  }
0x6a: {  	[spmem:s2] =	stream.indirect.scatter.add.f32 [tilespmem:s10], [sflag:$0x1], $0x1, s21, s9, $0xb8;
	[tilespmem:$0xF98] =	vst v63  }
0x6b: {  	_ = 	snop  }
0x6c: {  	[spmem:s2] =	stream.indirect.scatter.add.f32 [tilespmem:s10], [sflag:$0x1], $0x1, s22, s9, $0xb8;
	[tilespmem:$0xF98] =	vst v63  }
0x6d: {  	_ = 	snop  }
0x6e: {  	[spmem:s2] =	stream.indirect.scatter.add.f32 [tilespmem:s10], [sflag:$0x1], $0x1, s23, s9, $0xb8;
	[tilespmem:$0xF98] =	vst v63  }
0x6f: {  	_ = 	snop  }
0x70: {  	[spmem:s2] =	stream.indirect.scatter.add.f32 [tilespmem:s10], [sflag:$0x1], $0x1, s24, s9, $0xb8;
	[tilespmem:$0xF98] =	vst v63  }
0x71: {  	_ = 	snop  }
0x72: {  	[spmem:s2] =	stream.indirect.scatter.add.f32 [tilespmem:s10], [sflag:$0x1], $0x1, s25, s9, $0xb8;
	[tilespmem:$0xF98] =	vst v63  }
0x73: {  	_ = 	snop  }
0x74: {  	[spmem:s2] =	stream.indirect.scatter.add.f32 [tilespmem:s10], [sflag:$0x1], $0x1, s26, s9, $0xb8;
	[tilespmem:$0xF98] =	vst v63  }
0x75: {  	_ = 	snop  }
0x76: {  	[spmem:s2] =	stream.indirect.scatter.add.f32 [tilespmem:s10], [sflag:$0x1], $0x1, s28, s9, $0xb8;
	[tilespmem:$0xF98] =	vst v63  }
0x77: {  	_ = 	snop  }
0x78: {  	[spmem:s2] =	stream.indirect.scatter.add.f32 [tilespmem:s10], [sflag:$0x1], $0x1, s29, s9, $0xb8;
	[tilespmem:$0xF98] =	vst v63  }
0x79: {  	_ = 	snop  }
0x7a: {  	[spmem:s2] =	stream.indirect.scatter.add.f32 [tilespmem:s10], [sflag:$0x1], $0x1, s30, s9, $0xb8;
	[tilespmem:$0xF98] =	vst v63  }
0x7b: {  	_ = 	snop  }
0x7c: {  	[spmem:s2] =	stream.indirect.scatter.add.f32 [tilespmem:s10], [sflag:$0x1], $0x1, s31, s9, $0xb8;
	[tilespmem:$0xF98] =	vst v63  }
0x7d: {  	_ = 	snop  }
0x7e: {  	[spmem:s2] =	stream.indirect.scatter.add.f32 [tilespmem:s10], [sflag:$0x1], $0x1, s1, s9, $0xb8;
	[tilespmem:$0xF98] =	vst v63  }
0x7f: {  	_ = 	snop  }
0x80: {  	[spmem:s2] =	stream.indirect.scatter.add.f32 [tilespmem:s10], [sflag:$0x1], $0x1, s7, s9, $0xb8;
	[tilespmem:$0xF98] =	vst v63  }
0x81: {  	_ =	swait.ge [sflag:s0], $0x64  }
0x82: {  	[sflag:s0] =	ssyncset.done $0x0  }
0x83: {  	[sflag:s0] =	ssyncadd.s32 $0xFFFFFF9C  }
0x84: {  	_ =	swait.ge [sflag:s0], $0x64  }
0x85: {  	[sflag:s0] =	ssyncset.done $0x0  }
0x86: {  	[sflag:s0] =	ssyncadd.s32 $0xFFFFFF9C  }
0x87: {  	_ =	swait.ge [sflag:s0], $0x64  }
0x88: {  	[sflag:s0] =	ssyncset.done $0x0  }
0x89: {  	[sflag:s0] =	ssyncadd.s32 $0xFFFFFF9C  }
0x8a: {  	_ =	swait.ge [sflag:s0], $0x64  }
0x8b: {  	[sflag:s0] =	ssyncset.done $0x0  }
0x8c: {  	[sflag:s0] =	ssyncadd.s32 $0xFFFFFF9C  }
0x8d: {  	_ =	swait.ge [sflag:s0], $0x64  }
0x8e: {  	[sflag:s0] =	ssyncset.done $0x0  }
0x8f: {  	[sflag:s0] =	ssyncadd.s32 $0xFFFFFF9C  }
0x90: {  	_ =	swait.ge [sflag:s0], $0x64  }
0x91: {  	[sflag:s0] =	ssyncset.done $0x0  }
0x92: {  	[sflag:s0] =	ssyncadd.s32 $0xFFFFFF9C  }
0x93: {  	_ =	swait.ge [sflag:s0], $0x64  }
0x94: {  	[sflag:s0] =	ssyncset.done $0x0  }
0x95: {  	[sflag:s0] =	ssyncadd.s32 $0xFFFFFF9C  }
0x96: {  	_ =	swait.ge [sflag:s0], $0x64  }
0x97: {  	[sflag:s0] =	ssyncset.done $0x0  }
0x98: {  	[sflag:s0] =	ssyncadd.s32 $0xFFFFFF9C  }
0x99: {  	_ =	swait.ge [sflag:s0], $0x64  }
0x9a: {  	[sflag:s0] =	ssyncset.done $0x0  }
0x9b: {  	[sflag:s0] =	ssyncadd.s32 $0xFFFFFF9C  }
0x9c: {  	_ =	swait.ge [sflag:s0], $0x64  }
0x9d: {  	[sflag:s0] =	ssyncset.done $0x0  }
0x9e: {  	[sflag:s0] =	ssyncadd.s32 $0xFFFFFF9C  }
0x9f: {  	_ =	swait.ge [sflag:s0], $0x64  }
0xa0: {  	[sflag:s0] =	ssyncset.done $0x0  }
0xa1: {  	[sflag:s0] =	ssyncadd.s32 $0xFFFFFF9C  }
0xa2: {  	_ =	swait.ge [sflag:s0], $0x64  }
0xa3: {  	[sflag:s0] =	ssyncset.done $0x0  }
0xa4: {  	[sflag:s0] =	ssyncadd.s32 $0xFFFFFF9C  }
0xa5: {  	_ =	swait.ge [sflag:s0], $0x64  }
0xa6: {  	[sflag:s0] =	ssyncset.done $0x0  }
0xa7: {  	[sflag:s0] =	ssyncadd.s32 $0xFFFFFF9C  }
0xa8: {  	_ =	swait.ge [sflag:s0], $0x64  }
0xa9: {  	[sflag:s0] =	ssyncset.done $0x0  }
0xaa: {  	[sflag:s0] =	ssyncadd.s32 $0xFFFFFF9C  }
0xab: {  	_ =	swait.ge [sflag:s0], $0x64  }
0xac: {  	[sflag:s0] =	ssyncset.done $0x0  }
0xad: {  	[sflag:s0] =	ssyncadd.s32 $0xFFFFFF9C  }
0xae: {  	_ =	swait.ge [sflag:s0], $0x64  }
0xaf: {  	[sflag:s0] =	ssyncset.done $0x0  }
0xb0: {  	[sflag:s0] =	ssyncadd.s32 $0xFFFFFF9C  }
0xb1: {  	_ =	swait.ge [sflag:s0], $0x64  }
0xb2: {  	[sflag:s0] =	ssyncset.done $0x0  }
0xb3: {  	[sflag:s0] =	ssyncadd.s32 $0xFFFFFF9C  }
0xb4: {  	_ =	swait.ge [sflag:s0], $0x64  }
0xb5: {  	[sflag:s0] =	ssyncset.done $0x0  }
0xb6: {  	[sflag:s0] =	ssyncadd.s32 $0xFFFFFF9C  }
0xb7: {  	_ =	swait.ge [sflag:s0], $0x64  }
0xb8: {  	[sflag:s0] =	ssyncset.done $0x0  }
0xb9: {  	[sflag:s0] =	ssyncadd.s32 $0xFFFFFF9C  }
0xba: {  	_ =	swait.ge [sflag:s0], $0x64  }
0xbb: {  	[sflag:s0] =	ssyncset.done $0x0  }
0xbc: {  	[sflag:s0] =	ssyncadd.s32 $0xFFFFFF9C  }
0xbd: {  	_ =	swait.ge [sflag:s0], $0x64  }
0xbe: {  	[sflag:s0] =	ssyncset.done $0x0  }
0xbf: {  	[sflag:s0] =	ssyncadd.s32 $0xFFFFFF9C  }
0xc0: {  	_ =	swait.ge [sflag:s0], $0x64  }
0xc1: {  	[sflag:s0] =	ssyncset.done $0x0  }
0xc2: {  	[sflag:s0] =	ssyncadd.s32 $0xFFFFFF9C  }
0xc3: {  	_ =	swait.ge [sflag:s0], $0x64  }
0xc4: {  	[sflag:s0] =	ssyncset.done $0x0  }
0xc5: {  	[sflag:s0] =	ssyncadd.s32 $0xFFFFFF9C  }
0xc6: {  	_ =	swait.ge [sflag:s0], $0x64  }
0xc7: {  	[sflag:s0] =	ssyncset.done $0x0  }
0xc8: {  	[sflag:s0] =	ssyncadd.s32 $0xFFFFFF9C  }
0xc9: {  	s4 =	simm.s32 $0x28A;
	_ =	swait.ge [sflag:s0], $0x64  }
0xca: {  	s6 =	simm.s32 $0x145;
	s5 =	rddreg [dreg:$0x4];
	[sflag:s0] =	ssyncset.done $0x0  }
.LBB2_2:
0xcb: {  	[sflag:s0] =	ssyncadd.s32 $0xFFFFFF9C;
	s5 =	sadd.s32 s6, s5  }
0xcc: {  	[tilespmem:s3], [sflag:$0x2] =	stream.linear.gather [hbm4b:s5+s3], $0xA28, $0x38;
	[tilespmem:$0xF98] =	vst v63  }
0xcd: {  	_ =	swait.ge [sflag:s8], $0xA28  }
0xce: {  	[sflag:s8] =	ssyncset.done $0x0  }
0xcf: {  	[sflag:s8] =	ssyncadd.s32 $0xFFFFF5D8  }
0xd0: {  	[spmem:s2] =	stream.indirect.scatter.add.f32 [tilespmem:s10], [sflag:$0x1], $0x1, s3, s9, $0xb8;
	[tilespmem:$0xF98] =	vst v63  }
0xd1: {  	s11 =	smov.u32 s4;
	s5 =	rddreg [dreg:$0x5]  }
0xd2: {  	[spmem:s2] =	stream.indirect.scatter.add.f32 [tilespmem:s10], [sflag:$0x1], $0x1, s5, s9, $0xb8;
	[tilespmem:$0xF98] =	vst v63  }
0xd3: {  	s6 =	smov.u32 s11;
	s11 =	rddreg [dreg:$0x6]  }
0xd4: {  	[spmem:s2] =	stream.indirect.scatter.add.f32 [tilespmem:s10], [sflag:$0x1], $0x1, s11, s9, $0xb8;
	[tilespmem:$0xF98] =	vst v63  }
0xd5: {  	s11 =	simm.s32 $0x138  }
0xd6: {  	[spmem:s2] =	stream.indirect.scatter.add.f32 [tilespmem:s10], [sflag:$0x1], $0x1, s11, s9, $0xb8;
	[tilespmem:$0xF98] =	vst v63  }
0xd7: {  	_ = 	snop  }
0xd8: {  	[spmem:s2] =	stream.indirect.scatter.add.f32 [tilespmem:s10], [sflag:$0x1], $0x1, s12, s9, $0xb8;
	[tilespmem:$0xF98] =	vst v63  }
0xd9: {  	_ = 	snop  }
0xda: {  	[spmem:s2] =	stream.indirect.scatter.add.f32 [tilespmem:s10], [sflag:$0x1], $0x1, s13, s9, $0xb8;
	[tilespmem:$0xF98] =	vst v63  }
0xdb: {  	_ = 	snop  }
0xdc: {  	[spmem:s2] =	stream.indirect.scatter.add.f32 [tilespmem:s10], [sflag:$0x1], $0x1, s14, s9, $0xb8;
	[tilespmem:$0xF98] =	vst v63  }
0xdd: {  	_ = 	snop  }
0xde: {  	[spmem:s2] =	stream.indirect.scatter.add.f32 [tilespmem:s10], [sflag:$0x1], $0x1, s15, s9, $0xb8;
	[tilespmem:$0xF98] =	vst v63  }
0xdf: {  	_ = 	snop  }
0xe0: {  	[spmem:s2] =	stream.indirect.scatter.add.f32 [tilespmem:s10], [sflag:$0x1], $0x1, s16, s9, $0xb8;
	[tilespmem:$0xF98] =	vst v63  }
0xe1: {  	_ = 	snop  }
0xe2: {  	[spmem:s2] =	stream.indirect.scatter.add.f32 [tilespmem:s10], [sflag:$0x1], $0x1, s17, s9, $0xb8;
	[tilespmem:$0xF98] =	vst v63  }
0xe3: {  	_ = 	snop  }
0xe4: {  	[spmem:s2] =	stream.indirect.scatter.add.f32 [tilespmem:s10], [sflag:$0x1], $0x1, s18, s9, $0xb8;
	[tilespmem:$0xF98] =	vst v63  }
0xe5: {  	_ = 	snop  }
0xe6: {  	[spmem:s2] =	stream.indirect.scatter.add.f32 [tilespmem:s10], [sflag:$0x1], $0x1, s19, s9, $0xb8;
	[tilespmem:$0xF98] =	vst v63  }
0xe7: {  	_ = 	snop  }
0xe8: {  	[spmem:s2] =	stream.indirect.scatter.add.f32 [tilespmem:s10], [sflag:$0x1], $0x1, s20, s9, $0xb8;
	[tilespmem:$0xF98] =	vst v63  }
0xe9: {  	_ = 	snop  }
0xea: {  	[spmem:s2] =	stream.indirect.scatter.add.f32 [tilespmem:s10], [sflag:$0x1], $0x1, s21, s9, $0xb8;
	[tilespmem:$0xF98] =	vst v63  }
0xeb: {  	_ = 	snop  }
0xec: {  	[spmem:s2] =	stream.indirect.scatter.add.f32 [tilespmem:s10], [sflag:$0x1], $0x1, s22, s9, $0xb8;
	[tilespmem:$0xF98] =	vst v63  }
0xed: {  	_ = 	snop  }
0xee: {  	[spmem:s2] =	stream.indirect.scatter.add.f32 [tilespmem:s10], [sflag:$0x1], $0x1, s23, s9, $0xb8;
	[tilespmem:$0xF98] =	vst v63  }
0xef: {  	_ = 	snop  }
0xf0: {  	[spmem:s2] =	stream.indirect.scatter.add.f32 [tilespmem:s10], [sflag:$0x1], $0x1, s24, s9, $0xb8;
	[tilespmem:$0xF98] =	vst v63  }
0xf1: {  	_ = 	snop  }
0xf2: {  	[spmem:s2] =	stream.indirect.scatter.add.f32 [tilespmem:s10], [sflag:$0x1], $0x1, s25, s9, $0xb8;
	[tilespmem:$0xF98] =	vst v63  }
0xf3: {  	_ = 	snop  }
0xf4: {  	[spmem:s2] =	stream.indirect.scatter.add.f32 [tilespmem:s10], [sflag:$0x1], $0x1, s26, s9, $0xb8;
	[tilespmem:$0xF98] =	vst v63  }
0xf5: {  	_ = 	snop  }
0xf6: {  	[spmem:s2] =	stream.indirect.scatter.add.f32 [tilespmem:s10], [sflag:$0x1], $0x1, s28, s9, $0xb8;
	[tilespmem:$0xF98] =	vst v63  }
0xf7: {  	_ = 	snop  }
0xf8: {  	[spmem:s2] =	stream.indirect.scatter.add.f32 [tilespmem:s10], [sflag:$0x1], $0x1, s29, s9, $0xb8;
	[tilespmem:$0xF98] =	vst v63  }
0xf9: {  	_ = 	snop  }
0xfa: {  	[spmem:s2] =	stream.indirect.scatter.add.f32 [tilespmem:s10], [sflag:$0x1], $0x1, s30, s9, $0xb8;
	[tilespmem:$0xF98] =	vst v63  }
0xfb: {  	_ = 	snop  }
0xfc: {  	[spmem:s2] =	stream.indirect.scatter.add.f32 [tilespmem:s10], [sflag:$0x1], $0x1, s31, s9, $0xb8;
	[tilespmem:$0xF98] =	vst v63  }
0xfd: {  	_ = 	snop  }
0xfe: {  	[spmem:s2] =	stream.indirect.scatter.add.f32 [tilespmem:s10], [sflag:$0x1], $0x1, s1, s9, $0xb8;
	[tilespmem:$0xF98] =	vst v63  }
0xff: {  	_ = 	snop  }
0x100: {  	[spmem:s2] =	stream.indirect.scatter.add.f32 [tilespmem:s10], [sflag:$0x1], $0x1, s7, s9, $0xb8;
	[tilespmem:$0xF98] =	vst v63  }
0x101: {  	_ =	swait.ge [sflag:s0], $0x64  }
0x102: {  	[sflag:s0] =	ssyncset.done $0x0  }
0x103: {  	[sflag:s0] =	ssyncadd.s32 $0xFFFFFF9C  }
0x104: {  	_ =	swait.ge [sflag:s0], $0x64  }
0x105: {  	[sflag:s0] =	ssyncset.done $0x0  }
0x106: {  	[sflag:s0] =	ssyncadd.s32 $0xFFFFFF9C  }
0x107: {  	_ =	swait.ge [sflag:s0], $0x64  }
0x108: {  	[sflag:s0] =	ssyncset.done $0x0  }
0x109: {  	[sflag:s0] =	ssyncadd.s32 $0xFFFFFF9C  }
0x10a: {  	_ =	swait.ge [sflag:s0], $0x64  }
0x10b: {  	[sflag:s0] =	ssyncset.done $0x0  }
0x10c: {  	[sflag:s0] =	ssyncadd.s32 $0xFFFFFF9C  }
0x10d: {  	_ =	swait.ge [sflag:s0], $0x64  }
0x10e: {  	[sflag:s0] =	ssyncset.done $0x0  }
0x10f: {  	[sflag:s0] =	ssyncadd.s32 $0xFFFFFF9C  }
0x110: {  	_ =	swait.ge [sflag:s0], $0x64  }
0x111: {  	[sflag:s0] =	ssyncset.done $0x0  }
0x112: {  	[sflag:s0] =	ssyncadd.s32 $0xFFFFFF9C  }
0x113: {  	_ =	swait.ge [sflag:s0], $0x64  }
0x114: {  	[sflag:s0] =	ssyncset.done $0x0  }
0x115: {  	[sflag:s0] =	ssyncadd.s32 $0xFFFFFF9C  }
0x116: {  	_ =	swait.ge [sflag:s0], $0x64  }
0x117: {  	[sflag:s0] =	ssyncset.done $0x0  }
0x118: {  	[sflag:s0] =	ssyncadd.s32 $0xFFFFFF9C  }
0x119: {  	_ =	swait.ge [sflag:s0], $0x64  }
0x11a: {  	[sflag:s0] =	ssyncset.done $0x0  }
0x11b: {  	[sflag:s0] =	ssyncadd.s32 $0xFFFFFF9C  }
0x11c: {  	_ =	swait.ge [sflag:s0], $0x64  }
0x11d: {  	[sflag:s0] =	ssyncset.done $0x0  }
0x11e: {  	[sflag:s0] =	ssyncadd.s32 $0xFFFFFF9C  }
0x11f: {  	_ =	swait.ge [sflag:s0], $0x64  }
0x120: {  	[sflag:s0] =	ssyncset.done $0x0  }
0x121: {  	[sflag:s0] =	ssyncadd.s32 $0xFFFFFF9C  }
0x122: {  	_ =	swait.ge [sflag:s0], $0x64  }
0x123: {  	[sflag:s0] =	ssyncset.done $0x0  }
0x124: {  	[sflag:s0] =	ssyncadd.s32 $0xFFFFFF9C  }
0x125: {  	_ =	swait.ge [sflag:s0], $0x64  }
0x126: {  	[sflag:s0] =	ssyncset.done $0x0  }
0x127: {  	[sflag:s0] =	ssyncadd.s32 $0xFFFFFF9C  }
0x128: {  	_ =	swait.ge [sflag:s0], $0x64  }
0x129: {  	[sflag:s0] =	ssyncset.done $0x0  }
0x12a: {  	[sflag:s0] =	ssyncadd.s32 $0xFFFFFF9C  }
0x12b: {  	_ =	swait.ge [sflag:s0], $0x64  }
0x12c: {  	[sflag:s0] =	ssyncset.done $0x0  }
0x12d: {  	[sflag:s0] =	ssyncadd.s32 $0xFFFFFF9C  }
0x12e: {  	_ =	swait.ge [sflag:s0], $0x64  }
0x12f: {  	[sflag:s0] =	ssyncset.done $0x0  }
0x130: {  	[sflag:s0] =	ssyncadd.s32 $0xFFFFFF9C  }
0x131: {  	_ =	swait.ge [sflag:s0], $0x64  }
0x132: {  	[sflag:s0] =	ssyncset.done $0x0  }
0x133: {  	[sflag:s0] =	ssyncadd.s32 $0xFFFFFF9C  }
0x134: {  	_ =	swait.ge [sflag:s0], $0x64  }
0x135: {  	[sflag:s0] =	ssyncset.done $0x0  }
0x136: {  	[sflag:s0] =	ssyncadd.s32 $0xFFFFFF9C  }
0x137: {  	_ =	swait.ge [sflag:s0], $0x64  }
0x138: {  	[sflag:s0] =	ssyncset.done $0x0  }
0x139: {  	[sflag:s0] =	ssyncadd.s32 $0xFFFFFF9C  }
0x13a: {  	_ =	swait.ge [sflag:s0], $0x64  }
0x13b: {  	[sflag:s0] =	ssyncset.done $0x0  }
0x13c: {  	[sflag:s0] =	ssyncadd.s32 $0xFFFFFF9C  }
0x13d: {  	_ =	swait.ge [sflag:s0], $0x64  }
0x13e: {  	[sflag:s0] =	ssyncset.done $0x0  }
0x13f: {  	[sflag:s0] =	ssyncadd.s32 $0xFFFFFF9C  }
0x140: {  	_ =	swait.ge [sflag:s0], $0x64  }
0x141: {  	[sflag:s0] =	ssyncset.done $0x0  }
0x142: {  	[sflag:s0] =	ssyncadd.s32 $0xFFFFFF9C  }
0x143: {  	_ =	swait.ge [sflag:s0], $0x64  }
0x144: {  	[sflag:s0] =	ssyncset.done $0x0  }
0x145: {  	p0 =	sne.s32 s4, $0x3CF;
	[sflag:s0] =	ssyncadd.s32 $0xFFFFFF9C  }
.Ltmp0:
0x146: {  	_ =	swait.ge [sflag:s0], $0x64;
	(pc) =	sbr.rel @p0 .LBB2_2-.Ltmp0, $4  }
0x147: {  	[sflag:s0] =	ssyncset.done $0x0  }
0x148: {  	[sflag:s0] =	ssyncadd.s32 $0xFFFFFF9C  }
0x149: {  	_ =	swait.ge [sflag:s0], $0x64  }
0x14a: {  	s4 =	sadd.s32 $0x145, s4;
	s5 =	rddreg [dreg:$0x4];
	[sflag:s0] =	ssyncset.done $0x0  }
0x14b: {  	[sflag:s0] =	ssyncadd.s32 $0xFFFFFF9C;
	s4 =	sadd.s32 s6, s5  }
0x14c: {  	[tilespmem:s3], [sflag:$0x2] =	stream.linear.gather [hbm4b:s4+s3], $0xA28, $0x38;
	[tilespmem:$0xF98] =	vst v63  }
0x14d: {  	_ =	swait.ge [sflag:s8], $0xA28  }
0x14e: {  	[sflag:s8] =	ssyncset.done $0x0  }
0x14f: {  	[sflag:s8] =	ssyncadd.s32 $0xFFFFF5D8  }
0x150: {  	[spmem:s2] =	stream.indirect.scatter.add.f32 [tilespmem:s10], [sflag:$0x1], $0x1, s3, s9, $0xb8;
	[tilespmem:$0xF98] =	vst v63  }
0x151: {  	s6 =	rddreg [dreg:$0x5]  }
0x152: {  	[spmem:s2] =	stream.indirect.scatter.add.f32 [tilespmem:s10], [sflag:$0x1], $0x1, s6, s9, $0xb8;
	[tilespmem:$0xF98] =	vst v63  }
0x153: {  	s11 =	rddreg [dreg:$0x6]  }
0x154: {  	[spmem:s2] =	stream.indirect.scatter.add.f32 [tilespmem:s10], [sflag:$0x1], $0x1, s11, s9, $0xb8;
	[tilespmem:$0xF98] =	vst v63  }
0x155: {  	s6 =	simm.s32 $0x138  }
0x156: {  	[spmem:s2] =	stream.indirect.scatter.add.f32 [tilespmem:s10], [sflag:$0x1], $0x1, s6, s9, $0xb8;
	[tilespmem:$0xF98] =	vst v63  }
0x157: {  	_ = 	snop  }
0x158: {  	[spmem:s2] =	stream.indirect.scatter.add.f32 [tilespmem:s10], [sflag:$0x1], $0x1, s12, s9, $0xb8;
	[tilespmem:$0xF98] =	vst v63  }
0x159: {  	_ = 	snop  }
0x15a: {  	[spmem:s2] =	stream.indirect.scatter.add.f32 [tilespmem:s10], [sflag:$0x1], $0x1, s13, s9, $0xb8;
	[tilespmem:$0xF98] =	vst v63  }
0x15b: {  	_ = 	snop  }
0x15c: {  	[spmem:s2] =	stream.indirect.scatter.add.f32 [tilespmem:s10], [sflag:$0x1], $0x1, s14, s9, $0xb8;
	[tilespmem:$0xF98] =	vst v63  }
0x15d: {  	_ = 	snop  }
0x15e: {  	[spmem:s2] =	stream.indirect.scatter.add.f32 [tilespmem:s10], [sflag:$0x1], $0x1, s15, s9, $0xb8;
	[tilespmem:$0xF98] =	vst v63  }
0x15f: {  	_ = 	snop  }
0x160: {  	[spmem:s2] =	stream.indirect.scatter.add.f32 [tilespmem:s10], [sflag:$0x1], $0x1, s16, s9, $0xb8;
	[tilespmem:$0xF98] =	vst v63  }
0x161: {  	_ = 	snop  }
0x162: {  	[spmem:s2] =	stream.indirect.scatter.add.f32 [tilespmem:s10], [sflag:$0x1], $0x1, s17, s9, $0xb8;
	[tilespmem:$0xF98] =	vst v63  }
0x163: {  	_ = 	snop  }
0x164: {  	[spmem:s2] =	stream.indirect.scatter.add.f32 [tilespmem:s10], [sflag:$0x1], $0x1, s18, s9, $0xb8;
	[tilespmem:$0xF98] =	vst v63  }
0x165: {  	_ = 	snop  }
0x166: {  	[spmem:s2] =	stream.indirect.scatter.add.f32 [tilespmem:s10], [sflag:$0x1], $0x1, s19, s9, $0xb8;
	[tilespmem:$0xF98] =	vst v63  }
0x167: {  	_ = 	snop  }
0x168: {  	[spmem:s2] =	stream.indirect.scatter.add.f32 [tilespmem:s10], [sflag:$0x1], $0x1, s20, s9, $0xb8;
	[tilespmem:$0xF98] =	vst v63  }
0x169: {  	_ = 	snop  }
0x16a: {  	[spmem:s2] =	stream.indirect.scatter.add.f32 [tilespmem:s10], [sflag:$0x1], $0x1, s21, s9, $0xb8;
	[tilespmem:$0xF98] =	vst v63  }
0x16b: {  	_ = 	snop  }
0x16c: {  	[spmem:s2] =	stream.indirect.scatter.add.f32 [tilespmem:s10], [sflag:$0x1], $0x1, s22, s9, $0xb8;
	[tilespmem:$0xF98] =	vst v63  }
0x16d: {  	_ = 	snop  }
0x16e: {  	[spmem:s2] =	stream.indirect.scatter.add.f32 [tilespmem:s10], [sflag:$0x1], $0x1, s23, s9, $0xb8;
	[tilespmem:$0xF98] =	vst v63  }
0x16f: {  	_ = 	snop  }
0x170: {  	[spmem:s2] =	stream.indirect.scatter.add.f32 [tilespmem:s10], [sflag:$0x1], $0x1, s24, s9, $0xb8;
	[tilespmem:$0xF98] =	vst v63  }
0x171: {  	_ = 	snop  }
0x172: {  	[spmem:s2] =	stream.indirect.scatter.add.f32 [tilespmem:s10], [sflag:$0x1], $0x1, s25, s9, $0xb8;
	[tilespmem:$0xF98] =	vst v63  }
0x173: {  	_ = 	snop  }
0x174: {  	[spmem:s2] =	stream.indirect.scatter.add.f32 [tilespmem:s10], [sflag:$0x1], $0x1, s26, s9, $0xb8;
	[tilespmem:$0xF98] =	vst v63  }
0x175: {  	_ = 	snop  }
0x176: {  	[spmem:s2] =	stream.indirect.scatter.add.f32 [tilespmem:s10], [sflag:$0x1], $0x1, s28, s9, $0xb8;
	[tilespmem:$0xF98] =	vst v63  }
0x177: {  	_ = 	snop  }
0x178: {  	[spmem:s2] =	stream.indirect.scatter.add.f32 [tilespmem:s10], [sflag:$0x1], $0x1, s29, s9, $0xb8;
	[tilespmem:$0xF98] =	vst v63  }
0x179: {  	_ = 	snop  }
0x17a: {  	[spmem:s2] =	stream.indirect.scatter.add.f32 [tilespmem:s10], [sflag:$0x1], $0x1, s30, s9, $0xb8;
	[tilespmem:$0xF98] =	vst v63  }
0x17b: {  	_ = 	snop  }
0x17c: {  	[spmem:s2] =	stream.indirect.scatter.add.f32 [tilespmem:s10], [sflag:$0x1], $0x1, s31, s9, $0xb8;
	[tilespmem:$0xF98] =	vst v63  }
0x17d: {  	_ = 	snop  }
0x17e: {  	[spmem:s2] =	stream.indirect.scatter.add.f32 [tilespmem:s10], [sflag:$0x1], $0x1, s1, s9, $0xb8;
	[tilespmem:$0xF98] =	vst v63  }
0x17f: {  	_ = 	snop  }
0x180: {  	[spmem:s2] =	stream.indirect.scatter.add.f32 [tilespmem:s10], [sflag:$0x1], $0x1, s7, s9, $0xb8;
	[tilespmem:$0xF98] =	vst v63  }
0x181: {  	_ =	swait.ge [sflag:s0], $0x64  }
0x182: {  	[sflag:s0] =	ssyncset.done $0x0  }
0x183: {  	[sflag:s0] =	ssyncadd.s32 $0xFFFFFF9C  }
0x184: {  	_ =	swait.ge [sflag:s0], $0x64  }
0x185: {  	[sflag:s0] =	ssyncset.done $0x0  }
0x186: {  	[sflag:s0] =	ssyncadd.s32 $0xFFFFFF9C  }
0x187: {  	_ =	swait.ge [sflag:s0], $0x64  }
0x188: {  	[sflag:s0] =	ssyncset.done $0x0  }
0x189: {  	[sflag:s0] =	ssyncadd.s32 $0xFFFFFF9C  }
0x18a: {  	_ =	swait.ge [sflag:s0], $0x64  }
0x18b: {  	[sflag:s0] =	ssyncset.done $0x0  }
0x18c: {  	[sflag:s0] =	ssyncadd.s32 $0xFFFFFF9C  }
0x18d: {  	_ =	swait.ge [sflag:s0], $0x64  }
0x18e: {  	[sflag:s0] =	ssyncset.done $0x0  }
0x18f: {  	[sflag:s0] =	ssyncadd.s32 $0xFFFFFF9C  }
0x190: {  	_ =	swait.ge [sflag:s0], $0x64  }
0x191: {  	[sflag:s0] =	ssyncset.done $0x0  }
0x192: {  	[sflag:s0] =	ssyncadd.s32 $0xFFFFFF9C  }
0x193: {  	_ =	swait.ge [sflag:s0], $0x64  }
0x194: {  	[sflag:s0] =	ssyncset.done $0x0  }
0x195: {  	[sflag:s0] =	ssyncadd.s32 $0xFFFFFF9C  }
0x196: {  	_ =	swait.ge [sflag:s0], $0x64  }
0x197: {  	[sflag:s0] =	ssyncset.done $0x0  }
0x198: {  	[sflag:s0] =	ssyncadd.s32 $0xFFFFFF9C  }
0x199: {  	_ =	swait.ge [sflag:s0], $0x64  }
0x19a: {  	[sflag:s0] =	ssyncset.done $0x0  }
0x19b: {  	[sflag:s0] =	ssyncadd.s32 $0xFFFFFF9C  }
0x19c: {  	_ =	swait.ge [sflag:s0], $0x64  }
0x19d: {  	[sflag:s0] =	ssyncset.done $0x0  }
0x19e: {  	[sflag:s0] =	ssyncadd.s32 $0xFFFFFF9C  }
0x19f: {  	_ =	swait.ge [sflag:s0], $0x64  }
0x1a0: {  	[sflag:s0] =	ssyncset.done $0x0  }
0x1a1: {  	[sflag:s0] =	ssyncadd.s32 $0xFFFFFF9C  }
0x1a2: {  	_ =	swait.ge [sflag:s0], $0x64  }
0x1a3: {  	[sflag:s0] =	ssyncset.done $0x0  }
0x1a4: {  	[sflag:s0] =	ssyncadd.s32 $0xFFFFFF9C  }
0x1a5: {  	_ =	swait.ge [sflag:s0], $0x64  }
0x1a6: {  	[sflag:s0] =	ssyncset.done $0x0  }
0x1a7: {  	[sflag:s0] =	ssyncadd.s32 $0xFFFFFF9C  }
0x1a8: {  	_ =	swait.ge [sflag:s0], $0x64  }
0x1a9: {  	[sflag:s0] =	ssyncset.done $0x0  }
0x1aa: {  	[sflag:s0] =	ssyncadd.s32 $0xFFFFFF9C  }
0x1ab: {  	_ =	swait.ge [sflag:s0], $0x64  }
0x1ac: {  	[sflag:s0] =	ssyncset.done $0x0  }
0x1ad: {  	[sflag:s0] =	ssyncadd.s32 $0xFFFFFF9C  }
0x1ae: {  	_ =	swait.ge [sflag:s0], $0x64  }
0x1af: {  	[sflag:s0] =	ssyncset.done $0x0  }
0x1b0: {  	[sflag:s0] =	ssyncadd.s32 $0xFFFFFF9C  }
0x1b1: {  	_ =	swait.ge [sflag:s0], $0x64  }
0x1b2: {  	[sflag:s0] =	ssyncset.done $0x0  }
0x1b3: {  	[sflag:s0] =	ssyncadd.s32 $0xFFFFFF9C  }
0x1b4: {  	_ =	swait.ge [sflag:s0], $0x64  }
0x1b5: {  	[sflag:s0] =	ssyncset.done $0x0  }
0x1b6: {  	[sflag:s0] =	ssyncadd.s32 $0xFFFFFF9C  }
0x1b7: {  	_ =	swait.ge [sflag:s0], $0x64  }
0x1b8: {  	[sflag:s0] =	ssyncset.done $0x0  }
0x1b9: {  	[sflag:s0] =	ssyncadd.s32 $0xFFFFFF9C  }
0x1ba: {  	_ =	swait.ge [sflag:s0], $0x64  }
0x1bb: {  	[sflag:s0] =	ssyncset.done $0x0  }
0x1bc: {  	[sflag:s0] =	ssyncadd.s32 $0xFFFFFF9C  }
0x1bd: {  	_ =	swait.ge [sflag:s0], $0x64  }
0x1be: {  	[sflag:s0] =	ssyncset.done $0x0  }
0x1bf: {  	[sflag:s0] =	ssyncadd.s32 $0xFFFFFF9C  }
0x1c0: {  	_ =	swait.ge [sflag:s0], $0x64  }
0x1c1: {  	[sflag:s0] =	ssyncset.done $0x0  }
0x1c2: {  	[sflag:s0] =	ssyncadd.s32 $0xFFFFFF9C  }
0x1c3: {  	_ =	swait.ge [sflag:s0], $0x64  }
0x1c4: {  	[sflag:s0] =	ssyncset.done $0x0  }
0x1c5: {  	[sflag:s0] =	ssyncadd.s32 $0xFFFFFF9C  }
0x1c6: {  	_ =	swait.ge [sflag:s0], $0x64  }
0x1c7: {  	[sflag:s0] =	ssyncset.done $0x0  }
0x1c8: {  	[sflag:s0] =	ssyncadd.s32 $0xFFFFFF9C  }
0x1c9: {  	_ =	swait.ge [sflag:s0], $0x64  }
0x1ca: {  	[sflag:s0] =	ssyncset.done $0x0  }
0x1cb: {  	[sflag:s0] =	ssyncadd.s32 $0xFFFFFF9C  }
0x1cc: {  	s11 =	stileid.u32;
	[bflag:$0x0] =	sbarrier.arrive $0xFFFF  }
0x1cd: {  	s4 =	sshll.u32 s11, $0x6;
	s11 =	rddreg [dreg:$0x7]  }
0x1ce: {  	s4 =	sor.u32 $0x1C02, s4;
	s6 =	rddreg [dreg:$0x8];
	s5 =	sshrl.u32 s11, $0x3  }
0x1cf: {  	[hbm:s6], [sflag:s4] =	dma.local [spmem:s5], $0x50  }
0x1d0: {  	_ =	swait.ge [sflag:s8], $0x50  }
0x1d1: {  	s4 =	rddreg [dreg:$0xa]  }
0x1d2: {  	s6 =	rddreg [dreg:$0x9];
	s5 =	sadd.s32 $0x1, s4  }
0x1d3: {  	p0 =	sne.s32 s5, s6  }
.Ltmp1:
0x1d4: {  	_ = 	snop;
	(pc) =	sbr.rel @p0 .LBB2_1-.Ltmp1, $3  }
0x1d5: {  	_ =	sdelay $0x1  }
0x1d6: {  	[sflag:s8] =	ssyncset.done $0x0  }
0x1d7: {  	[sflag:s8] =	ssyncadd.s32 $0xFFFFFFB0  }
0x1d8: {  	_ =	sfence.sel $0x180000  }
0x1d9: {  	[bflag:$0x0] =	sbarrier.arrive $0xFFFF  }
0x1da: {  	_ =	strace $0x90000047  }
0x1db: {  	s0 =	stileid.u32;
	[bflag:$0x2] =	sbarrier.arrive $0xFFFF  }
0x1dc: {  	p0 =	sne.s32 s0, $0x0;
	s0 =	rddreg [dreg:$0x3]  }
0x1dd: {  	s0 =	sadd.s32 @!p0 $0x100000, s0  }
0x1de: {  	[sflag:s0] =	ssyncadd.tile.s32 @!p0 $0x1;
	_ =	shalt  }
.Lfunc_end2:
_tile_overlayer_lowered:
.L_overlay_start_2:
0x1df: {  	(tag) =	ssettag $0x2  }
0x1e0: {  	s0 =	rddreg [dreg:$0x0];
	s2 =	stileid.u32  }
0x1e1: {  	s1 =	rddreg [dreg:$0x1];
	p0 =	sne.s32 s2, $0x0  }
0x1e2: {  	s3 =	rddreg [dreg:$0x2];
	[bflag:$0x3] =	sbarrier.arrive $0xFFFF;
	s2 =	simm.s32 @!p0 $0x1C02  }
0x1e3: {  	[timem:s3], [sflag:s2] =	dma.local @!p0 [hbm:s0], s1  }
0x1e4: {  	s0 =	simm.s32 @!p0 $0x2  }
0x1e5: {  	_ =	swait.ge @!p0 [sflag:s0], s1  }
0x1e6: {  	s1 =	ssub.s32 @!p0 $0x0, s1;
	[sflag:s0] =	ssyncset.done @!p0 $0x0  }
0x1e7: {  	[sflag:s0] =	ssyncadd.s32 @!p0 s1  }
0x1e8: {  	[bflag:$0x3] =	sbarrier.arrive $0xFFFF  }
0x1e9: {  	_ =	shalt  }

// kernel: kernel.9.cloned.1.call-start
scs
__scs_entry_jumppad:
0x0: {  	(pc) =	sbr.rel $0x88, $3  }
0x1: {  	(tag) =	ssettag $0x0;
	lr =	simm.s32 $0x1  }
0x2: {  	[smem:$0x3F97] =	sst lr;
	_ =	strace $0xD0000000  }
0x3: {  	_ = 	snop  }
0x4: {  	_ = 	snop  }
0x5: {  	_ = 	snop  }
0x6: {  	_ = 	snop  }
0x7: {  	_ = 	snop  }
__scs_overlays_trampoline_lowered:
0x8: {  	[smem:$0x3FA6] =	sst s0  }
0x9: {  	[smem:$0x3FA7] =	sst s1  }
0xa: {  	[smem:$0x3FA8] =	sst s2  }
0xb: {  	[smem:$0x3FA9] =	sst s3  }
0xc: {  	[smem:$0x3FAA] =	sst s4  }
0xd: {  	[smem:$0x3FAB] =	sst s5  }
0xe: {  	[smem:$0x3FAC] =	sst s6  }
0xf: {  	[smem:$0x3FAD] =	sst s7  }
0x10: {  	[smem:$0x3FAE] =	sst s8  }
0x11: {  	[smem:$0x3FAF] =	sst s9;
	s0 =	simm.s32 @!p0 $0x0  }
0x12: {  	s1 =	sld [smem:$0x3F95];
	s0 =	simm.s32 @p0 $0x1  }
0x13: {  	[smem:$0x3FB0] =	sst s0;
	s0 =	simm.s32 @!p1 $0x0  }
0x14: {  	s2 =	sld [smem:$0x3F94];
	s0 =	simm.s32 @p1 $0x1  }
0x15: {  	[smem:$0x3FB1] =	sst s0;
	s0 =	simm.s32 @!p2 $0x0  }
0x16: {  	s3 =	sld [smem:$0x3FDB];
	s0 =	simm.s32 @p2 $0x1  }
0x17: {  	s4 =	simm.s32 $0x1BF5;
	[smem:$0x3FB3] =	sst s0  }
0x18: {  	s0 =	sld [smem:$0x3F96];
	_ =	swait.ge [sflag:s4], $0x0  }
0x19: {  	s7 =	sld [smem:$0x3F97]  }
0x1a: {  	s8 =	sadd.s32 $0xFFFFE003, lr  }
0x1b: {  	s9 =	sadd.s32 $0xFFFFFEF7, lr;
	s5 =	simm.s32 $0xFFFFFFFF;
	p2 =	slt.u32 s8, $0xFFFFF086  }
0x1c: {  	p1 =	slt.u32 s9, $0xF7A;
	s5 =	simm.s32 @!p2 $0x0  }
0x1d: {  	s5 =	simm.s32 @p1 $0x1;
	p0 =	seq.s32 s7, s2  }
0x1e: {  	s7 =	smul.u32 @!p0 $0xF7A, s2;
	p2 =	seq.s32 @!p0 s5, $0x0  }
0x1f: {  	s9 =	smul.u32 $0xF7A, s1;
	s8 =	simm.s32 @!p0 $0x1BF5;
	p2 =	por !p2, p0  }
0x20: {  	[sflag:s8] =	ssyncset.s32 @!p0 $0xFFFFF086;
	s6 =	sadd.s32 @!p0 s3, s7;
	s7 =	simm.s32 @!p0 $0x108  }
0x21: {  	s3 =	sadd.s32 s3, s9;
	s6 =	sadd.s32 @!p0 $0x88, s6;
	s7 =	simm.s32 @p2 $0x1082  }
0x22: {  	[simem:s7], [sflag:s8] =	dma.local @!p0 [hbm:s6], $0xF7A  }
0x23: {  	s9 =	sor.u32 $0xD0000000, s2;
	s6 =	simm.s32 $0x108;
	_ =	swait.ge @!p0 [sflag:s8], $0x0  }
0x24: {  	s3 =	sadd.s32 $0x88, s3;
	s6 =	simm.s32 @!p1 $0x1082;
	[sflag:s4] =	ssyncset.s32 $0xFFFFF086  }
0x25: {  	[simem:s6], [sflag:s4] =	dma.local [hbm:s3], $0xF7A  }
0x26: {  	[smem:$0x3F97] =	sst s1;
	(tag) =	ssettag s2;
	_ =	strace s9  }
0x27: {  	s1 =	sld [smem:$0x3FA7]  }
0x28: {  	s2 =	sld [smem:$0x3FA8]  }
0x29: {  	s4 =	sld [smem:$0x3FAA]  }
0x2a: {  	p0 =	seq.s32 s5, $0x0;
	s5 =	sld [smem:$0x3FAB]  }
0x2b: {  	s6 =	sld [smem:$0x3FAC]  }
0x2c: {  	s7 =	sld [smem:$0x3FAD]  }
0x2d: {  	s3 =	simm.s32 $0x108;
	s8 =	sld [smem:$0x3FAE]  }
0x2e: {  	s3 =	simm.s32 @!p0 $0x1082;
	s9 =	sld [smem:$0x3FAF]  }
0x2f: {  	lr =	sadd.s32 s0, s3;
	s0 =	sld [smem:$0x3FA6]  }
0x30: {  	s3 =	sld [smem:$0x3FA9]  }
0x31: {  	[smem:$0x3FB2] =	sst s10  }
0x32: {  	s10 =	sld [smem:$0x3FB0];
	_ =	sdelay $0x3  }
0x33: {  	p0 =	seq.s32 s10, $0x1;
	s10 =	sld [smem:$0x3FB2];
	_ =	sdelay $0x3  }
0x34: {  	[smem:$0x3FB2] =	sst s10  }
0x35: {  	s10 =	sld [smem:$0x3FB1];
	_ =	sdelay $0x3  }
0x36: {  	p1 =	seq.s32 s10, $0x1;
	s10 =	sld [smem:$0x3FB2];
	_ =	sdelay $0x3  }
0x37: {  	[smem:$0x3FB2] =	sst s10  }
0x38: {  	s10 =	sld [smem:$0x3FB3]  }
0x39: {  	_ = 	snop;
	(pc) =	sbr.ind lr, $3  }
0x3a: {  	_ = 	snop  }
0x3b: {  	_ = 	snop  }
0x3c: {  	p2 =	seq.s32 s10, $0x1;
	s10 =	sld [smem:$0x3FB2]  }
0x3d: {  	_ =	shalt  }
0x3e: {  	_ =	shalt  }
0x3f: {  	_ =	shalt  }
0x40: {  	_ =	shalt  }
0x41: {  	_ =	shalt  }
0x42: {  	_ =	shalt  }
0x43: {  	_ =	shalt  }
0x44: {  	_ =	shalt  }
0x45: {  	_ =	shalt  }
0x46: {  	_ =	shalt  }
0x47: {  	_ =	shalt  }
0x48: {  	_ =	shalt  }
0x49: {  	_ =	shalt  }
0x4a: {  	_ =	shalt  }
0x4b: {  	_ =	shalt  }
0x4c: {  	_ =	shalt  }
0x4d: {  	_ =	shalt  }
0x4e: {  	_ =	shalt  }
0x4f: {  	_ =	shalt  }
0x50: {  	_ =	shalt  }
0x51: {  	_ =	shalt  }
0x52: {  	_ =	shalt  }
0x53: {  	_ =	shalt  }
0x54: {  	_ =	shalt  }
0x55: {  	_ =	shalt  }
0x56: {  	_ =	shalt  }
0x57: {  	_ =	shalt  }
0x58: {  	_ =	shalt  }
0x59: {  	_ =	shalt  }
0x5a: {  	_ =	shalt  }
0x5b: {  	_ =	shalt  }
0x5c: {  	_ =	shalt  }
0x5d: {  	_ =	shalt  }
0x5e: {  	_ =	shalt  }
0x5f: {  	_ =	shalt  }
0x60: {  	_ =	shalt  }
0x61: {  	_ =	shalt  }
0x62: {  	_ =	shalt  }
0x63: {  	_ =	shalt  }
0x64: {  	_ =	shalt  }
0x65: {  	_ =	shalt  }
0x66: {  	_ =	shalt  }
0x67: {  	_ =	shalt  }
0x68: {  	_ =	shalt  }
0x69: {  	_ =	shalt  }
0x6a: {  	_ =	shalt  }
0x6b: {  	_ =	shalt  }
0x6c: {  	_ =	shalt  }
0x6d: {  	_ =	shalt  }
0x6e: {  	_ =	shalt  }
0x6f: {  	_ =	shalt  }
0x70: {  	_ =	shalt  }
0x71: {  	_ =	shalt  }
0x72: {  	_ =	shalt  }
0x73: {  	_ =	shalt  }
0x74: {  	_ =	shalt  }
0x75: {  	_ =	shalt  }
0x76: {  	_ =	shalt  }
0x77: {  	_ =	shalt  }
0x78: {  	_ =	shalt  }
0x79: {  	_ =	shalt  }
0x7a: {  	_ =	shalt  }
0x7b: {  	_ =	shalt  }
0x7c: {  	_ =	shalt  }
0x7d: {  	_ =	shalt  }
0x7e: {  	_ =	shalt  }
0x7f: {  	_ =	shalt  }
0x80: {  	_ =	shalt  }
0x81: {  	_ =	shalt  }
0x82: {  	_ =	shalt  }
0x83: {  	_ =	shalt  }
0x84: {  	_ =	shalt  }
0x85: {  	_ =	shalt  }
0x86: {  	_ =	shalt  }
0x87: {  	_ =	shalt  }
.Lfunc_end0:
.L_simem_size_0:
called_computation.1_lowered:
.L_overlay_start_0:
0x88: {  	s2 =	sld [smem:$0x3FD9]  }
0x89: {  	s3 =	sld [smem:$0x3FFE];
	_ =	sdelay $0x1  }
0x8a: {  	s1 =	srdreg.scid  }
0x8b: {  	s0 =	sand.u32 $0x1, s1  }
0x8c: {  	s17 =	sshll.u32 s0, $0xA;
	s2 =	sadd.s32 s3, s2  }
0x8d: {  	s2 =	sadd.s32 s2, s17  }
0x8e: {  	[smem:$0x3FBE] =	sst s2  }
0x8f: {  	_ = 	snop  }
0x90: {  	s2 =	sld [smem:$0x3FD0];
	(tm) =	ssettm $0x1  }
0x91: {  	s18 =	sld [smem:$0x3FFB];
	_ =	sdelay $0x3  }
0x92: {  	_ =	strace s18  }
0x93: {  	s3 =	sld [smem:$0x3FFC];
	_ =	sdelay $0x3  }
0x94: {  	_ =	strace s3  }
0x95: {  	s3 =	sld [smem:$0x3FFD];
	_ =	sdelay $0x3  }
0x96: {  	_ =	strace s3  }
0x97: {  	_ =	strace $0x8FFFFFFF  }
0x98: {  	s19 =	sld [smem:$0x3FDB];
	_ =	sdelay $0x1  }
0x99: {  	s4 =	simm.s32 $_scs_section_size  }
0x9a: {  	s5 =	simm.s32 $_size__tile_overlayer_lowered;
	s6 =	simm.s32 $_tile_overlayer_lowered  }
0x9b: {  	s22 =	simm.s32 $0x1BFF;
	s21 =	sshll.u32 s6, $0x1;
	s3 =	sadd.s32 s4, s19  }
0x9c: {  	s7 =	simm.s32 $0x0;
	s20 =	sshll.u32 s5, $0x1;
	s5 =	sadd.s32 s21, s3  }
0x9d: {  	[timem:s7], [sflag:s22] =	dma.local [hbm:s5], s20  }
0x9e: {  	_ =	swait.ge [sflag:s22], s20  }
0x9f: {  	s4 =	ssub.s32 $0x0, s20;
	[sflag:s22] =	ssyncset.done $0x0  }
0xa0: {  	[sflag:s22] =	ssyncadd.s32 s4;
	_ =	sdelay $0x1  }
0xa1: {  	s23 =	simm.s32 $0x1B8B  }
0xa2: {  	_ =	swait.ge [sflag:s23], $0x1  }
0xa3: {  	[sflag:s23] =	ssyncset.done $0x0  }
0xa4: {  	s25 =	simm.s32 $0x1B8E;
	s24 =	sld [smem:$0x3FFE];
	[sflag:s23] =	ssyncadd.s32 $0xFFFFFFFF  }
0xa5: {  	s26 =	simm.s32 $execute0_lowered;
	[smem:$0x3FD2] =	sst s25  }
0xa6: {  	s5 =	sshll.u32 s26, $0x1;
	_ =	strace $0x80000049;
	[dreg:$0x1] =	wrdreg $0xFFFFFFFF  }
0xa7: {  	s28 =	simm.s32 $_size_execute0_lowered;
	s3 =	sadd.s32 s3, s5;
	[dreg:$0x0] =	wrdreg $0x0  }
0xa8: {  	s5 =	sshll.u32 s28, $0x1;
	[dreg:$0x2] =	wrdreg s3  }
0xa9: {  	[dreg:$0x3] =	wrdreg s5  }
0xaa: {  	[dreg:$0x4] =	wrdreg $0xC0  }
0xab: {  	_ =	task [dreg:s7], $0x5FFFF  }
0xac: {  	[dreg:$0x1] =	wrdreg $0xFFFFFFFF  }
0xad: {  	[dreg:$0x0] =	wrdreg $0x60  }
0xae: {  	[dreg:$0x2] =	wrdreg s2  }
0xaf: {  	[dreg:$0x3] =	wrdreg s24  }
0xb0: {  	[dreg:$0x4] =	wrdreg $0xAE080  }
0xb1: {  	[dreg:$0x5] =	wrdreg $0x1EE080  }
0xb2: {  	[dreg:$0x6] =	wrdreg $0x9  }
0xb3: {  	_ =	task.clear_ibuf [dreg:s7], $0x7FFFF;
	_ =	strace $0x90000049  }
0xb4: {  	s29 =	simm.s32 $0x9;
	_ =	strace $0x8000004B  }
0xb5: {  	_ =	swait.ge [sflag:s29], $0x1  }
0xb6: {  	[sflag:s29] =	ssyncadd.s32 $0xFFFFFFFF  }
0xb7: {  	_ =	strace $0x9000004B  }
0xb8: {  	_ =	sfence  }
0xb9: {  	s30 =	sld [smem:$0x0];
	_ =	sdelay $0x2  }
0xba: {  	s31 =	sshll.u32 s1, $0xD;
	s1 =	sshrl.u32 s1, $0x2  }
0xbb: {  	s3 =	sand.u32 $0x4000, s31;
	s1 =	sadd.s32 s1, s30  }
0xbc: {  	s0 =	sor.u32 s3, s0;
	s1 =	sshll.u32 s1, $0x11  }
0xbd: {  	s0 =	sor.u32 s1, s0  }
0xbe: {  	s0 =	sadd.s32 $0x8F2B, s0  }
0xbf: {  	[sflag:s0] =	ssyncadd.remote.s32 $0x1  }
0xc0: {  	_ =	sfence.sel $0xFFFF  }
0xc1: {  	[dreg:$0x0] =	wrdreg $0xFFFFFFFF;
	(pc) =	sbr.abs _section_cstart, $3  }
0xc2: {  	[dreg:$0x1] =	wrdreg $0xFFFFFFFF  }
0xc3: {  	_ =	task.clear_ibuf [dreg:s7], $0x2FFFF;
	_ =	strace $0x9FFFFFFF  }
0xc4: {  	(tm) =	ssettm $0x7FFFFFFF  }
0xc5: {  	_ =	shalt  }
tec
execute0_lowered:
.L_overlay_start_1:
0x0: {  	(tag) =	ssettag $0x1  }
0x1: {  	s0 =	rddreg [dreg:$0x1];
	s1 =	srdreg.scid  }
0x2: {  	s3 =	rddreg [dreg:$0x2];
	s13 =	stileid.u32  }
0x3: {  	s4 =	rddreg [dreg:$0x3];
	s29 =	simm.s32 $0x0;
	s5 =	smul.u32 $0x14000, s13  }
0x4: {  	s28 =	simm.s32 $0xAA50;
	s30 =	simm.s32 $0x4650;
	s8 =	smul.u32 $0x280, s13  }
0x5: {  	s31 =	simm.s32 $0xAAB8;
	s1 =	sand.u32 $0x1, s1;
	s12 =	smul.u32 $0x50000, s13  }
0x6: {  	s14 =	simm.s32 $0xA;
	[smem:$0x7FF] =	sst s29;
	s2 =	smul.u32 $0x140000, s1  }
0x7: {  	s6 =	sadd.s32 $0x2600, s0;
	s7 =	sadd.s32 $0x2A600, s0;
	s9 =	smul.u32 $0x2800, s1  }
0x8: {  	_ =	strace $0x8000004A;
	s10 =	ssub.s32 $0x2, s1;
	s1 =	sshll.u32 s1, $0x4  }
0x9: {  	s11 =	sshrl.u32 s10, $0x1;
	s1 =	sor.u32 s13, s1;
	s16 =	sshrl.u32 s12, $0x2  }
0xa: {  	s17 =	sadd.s32 s5, s3;
	s12 =	simm.s32 $0x7;
	s13 =	simm.s32 $0x4  }
0xb: {  	s2 =	sadd.s32 s5, s2;
	s9 =	sadd.s32 s8, s9;
	s26 =	sshrl.u32 s17, $0x3  }
0xc: {  	s8 =	sadd.s32 s8, s4;
	s1 =	smul.u32 $0x64, s1;
	[dreg:$0x13] =	wrdreg s26  }
0xd: {  	s15 =	ssub.s32 s10, s11;
	s2 =	sshrl.u32 s2, $0x3;
	[dreg:$0x6] =	wrdreg s8  }
0xe: {  	s9 =	sshrl.u32 s9, $0x3;
	s18 =	smax.u32 s15, $0x1;
	[dreg:$0x7] =	wrdreg s1  }
0xf: {  	s2 =	sadd.s32 s2, s0;
	s1 =	sadd.s32 s16, s3;
	[dreg:$0xb] =	wrdreg s18  }
0x10: {  	s0 =	sadd.s32 s9, s0;
	s2 =	sadd.s32 $0x2B600, s2;
	[dreg:$0x9] =	wrdreg s1  }
0x11: {  	s10 =	simm.s32 $0x1;
	s0 =	sadd.s32 $0x2AC00, s0;
	[dreg:$0x8] =	wrdreg s2  }
0x12: {  	s17 =	simm.s32 $0x5;
	s19 =	sadd.s32 $0x2800, s1;
	[dreg:$0xa] =	wrdreg s0  }
0x13: {  	s11 =	simm.s32 $0xC;
	s20 =	sadd.s32 $0x5000, s1;
	[dreg:$0xc] =	wrdreg s19  }
0x14: {  	s26 =	simm.s32 $0x64;
	s21 =	sadd.s32 $0x7800, s1;
	[dreg:$0xd] =	wrdreg s20  }
0x15: {  	s15 =	simm.s32 $0x2;
	s22 =	sadd.s32 $0xA000, s1;
	[dreg:$0xe] =	wrdreg s21  }
0x16: {  	s16 =	simm.s32 $0x8;
	s23 =	sadd.s32 $0xC800, s1;
	[dreg:$0xf] =	wrdreg s22  }
0x17: {  	s18 =	simm.s32 $0xB;
	s24 =	sadd.s32 $0xF000, s1;
	[dreg:$0x10] =	wrdreg s23  }
0x18: {  	s9 =	simm.s32 $0x13E8;
	s25 =	sadd.s32 $0x11800, s1;
	[dreg:$0x11] =	wrdreg s24  }
0x19: {  	s1 =	simm.s32 $0xAB20;
	[dreg:$0x12] =	wrdreg s25;
	s21 =	simm.s32 $0x1450  }
0x1a: {  	s22 =	simm.s32 $0xD;
	s23 =	simm.s32 $0x7850;
	s19 =	simm.s32 $0x3  }
0x1b: {  	v0 =	vimm.f32 $0.0e+00;
	s20 =	simm.s32 $0x9;
	s25 =	simm.s32 $0x6;
	s24 =	simm.s32 $0x1380  }
.LBB2_1:
0x1c: {  	[dreg:$0x5] =	wrdreg s29;
	s2 =	simm.s32 $0x70;
	s5 =	simm.s32 $0x3C0  }
.LBB2_2:
0x1d: {  	p0 =	sne.s32 s5, $0x9FC0;
	[tilespmem:s2+$0x1450] =	vst v0  }
0x1e: {  	[tilespmem:s2+$0x13E0] =	vst v0  }
0x1f: {  	[tilespmem:s2+$0x13F0] =	vst v0  }
.Ltmp0:
0x20: {  	[tilespmem:s2+$0x1400] =	vst v0;
	(pc) =	sbr.rel @p0 .LBB2_2-.Ltmp0, $4  }
0x21: {  	[tilespmem:s2+$0x1410] =	vst v0  }
0x22: {  	[tilespmem:s2+$0x1420] =	vst v0  }
0x23: {  	[tilespmem:s2+$0x1430] =	vst v0  }
0x24: {  	[tilespmem:s2+$0x1440] =	vst v0;
	s2 =	sshra.s32 s5, $0x2;
	s5 =	sadd.s32 $0x200, s5  }
0x25: {  	[tilespmem:s2+$0x1450] =	vst v0  }
0x26: {  	[tilespmem:s2+$0x13E0] =	vst v0  }
0x27: {  	[tilespmem:s2+$0x13F0] =	vst v0  }
0x28: {  	[tilespmem:s2+$0x1400] =	vst v0  }
0x29: {  	[tilespmem:s2+$0x1410] =	vst v0  }
0x2a: {  	[tilespmem:s2+$0x1420] =	vst v0  }
0x2b: {  	[tilespmem:s2+$0x1430] =	vst v0  }
0x2c: {  	[tilespmem:s2+$0x1440] =	vst v0  }
0x2d: {  	[tilespmem:$0xAB88] =	vst v0  }
0x2e: {  	[tilespmem:$0xAB98] =	vst v0  }
0x2f: {  	[tilespmem:$0xABA8] =	vst v0  }
0x30: {  	[tilespmem:$0xABB8] =	vst v0  }
0x31: {  	[tilespmem:$0xABC8] =	vst v0  }
0x32: {  	[tilespmem:$0xABD8] =	vst v0  }
0x33: {  	[tilespmem:$0xABE8] =	vst v0  }
0x34: {  	[tilespmem:$0xABF8] =	vst v0  }
0x35: {  	[tilespmem:$0xAC08] =	vst v0  }
0x36: {  	[tilespmem:$0xAC18] =	vst v0  }
0x37: {  	[tilespmem:$0xAC28] =	vst v0  }
0x38: {  	[tilespmem:$0xAC38] =	vst v0  }
0x39: {  	[tilespmem:$0xAC48] =	vst v0  }
0x3a: {  	[tilespmem:$0xAC58] =	vst v0  }
0x3b: {  	[tilespmem:$0xAC68] =	vst v0  }
0x3c: {  	[tilespmem:$0xAC78] =	vst v0  }
0x3d: {  	[tilespmem:$0xAC88] =	vst v0  }
0x3e: {  	[tilespmem:$0xAC98] =	vst v0  }
0x3f: {  	[tilespmem:$0xACA8] =	vst v0  }
0x40: {  	[tilespmem:$0xACB8] =	vst v0  }
0x41: {  	[tilespmem:$0xACC8] =	vst v0  }
0x42: {  	[tilespmem:$0xACD8] =	vst v0  }
0x43: {  	[tilespmem:$0xACE8] =	vst v0  }
0x44: {  	[tilespmem:$0xACF8] =	vst v0  }
0x45: {  	[tilespmem:$0xAD08] =	vst v0  }
0x46: {  	[tilespmem:$0xAD18] =	vst v0  }
0x47: {  	[tilespmem:$0xAD28] =	vst v0  }
0x48: {  	[tilespmem:$0xAD38] =	vst v0  }
0x49: {  	[tilespmem:$0xAD48] =	vst v0  }
0x4a: {  	[tilespmem:$0xAD58] =	vst v0  }
0x4b: {  	[tilespmem:$0xAD68] =	vst v0  }
0x4c: {  	[tilespmem:$0xAD78] =	vst v0  }
0x4d: {  	[tilespmem:$0xAD88] =	vst v0  }
0x4e: {  	[tilespmem:$0xAD98] =	vst v0  }
0x4f: {  	[tilespmem:$0xADA8] =	vst v0  }
0x50: {  	[tilespmem:$0xADB8] =	vst v0  }
0x51: {  	[tilespmem:$0xADC8] =	vst v0  }
0x52: {  	[tilespmem:$0xADD8] =	vst v0  }
0x53: {  	[tilespmem:$0xADE8] =	vst v0  }
0x54: {  	s0 =	rddreg [dreg:$0x9];
	[tilespmem:$0xADF8] =	vst v0  }
0x55: {  	[spmem:s0] =	stream.linear.scatter [tilespmem:s21], [sflag:$0xD], $0x2800, $0x38;
	[tilespmem:$0x1F088] =	vst v63  }
0x56: {  	_ =	swait.ge [sflag:s22], $0x2800  }
0x57: {  	[sflag:s22] =	ssyncset.done $0x0  }
0x58: {  	s2 =	rddreg [dreg:$0xc];
	[sflag:s22] =	ssyncadd.s32 $0xFFFFD800  }
0x59: {  	[spmem:s2] =	stream.linear.scatter [tilespmem:s21], [sflag:$0xD], $0x2800, $0x38;
	[tilespmem:$0x1F088] =	vst v63  }
0x5a: {  	_ =	swait.ge [sflag:s22], $0x2800  }
0x5b: {  	[sflag:s22] =	ssyncset.done $0x0  }
0x5c: {  	s5 =	rddreg [dreg:$0xd];
	[sflag:s22] =	ssyncadd.s32 $0xFFFFD800  }
0x5d: {  	[spmem:s5] =	stream.linear.scatter [tilespmem:s21], [sflag:$0xD], $0x2800, $0x38;
	[tilespmem:$0x1F088] =	vst v63  }
0x5e: {  	_ =	swait.ge [sflag:s22], $0x2800  }
0x5f: {  	[sflag:s22] =	ssyncset.done $0x0  }
0x60: {  	s2 =	rddreg [dreg:$0xe];
	[sflag:s22] =	ssyncadd.s32 $0xFFFFD800  }
0x61: {  	[spmem:s2] =	stream.linear.scatter [tilespmem:s21], [sflag:$0xD], $0x2800, $0x38;
	[tilespmem:$0x1F088] =	vst v63  }
0x62: {  	_ =	swait.ge [sflag:s22], $0x2800  }
0x63: {  	[sflag:s22] =	ssyncset.done $0x0  }
0x64: {  	s5 =	rddreg [dreg:$0xf];
	[sflag:s22] =	ssyncadd.s32 $0xFFFFD800  }
0x65: {  	[spmem:s5] =	stream.linear.scatter [tilespmem:s21], [sflag:$0xD], $0x2800, $0x38;
	[tilespmem:$0x1F088] =	vst v63  }
0x66: {  	_ =	swait.ge [sflag:s22], $0x2800  }
0x67: {  	[sflag:s22] =	ssyncset.done $0x0  }
0x68: {  	s2 =	rddreg [dreg:$0x10];
	[sflag:s22] =	ssyncadd.s32 $0xFFFFD800  }
0x69: {  	[spmem:s2] =	stream.linear.scatter [tilespmem:s21], [sflag:$0xD], $0x2800, $0x38;
	[tilespmem:$0x1F088] =	vst v63  }
0x6a: {  	_ =	swait.ge [sflag:s22], $0x2800  }
0x6b: {  	[sflag:s22] =	ssyncset.done $0x0  }
0x6c: {  	s5 =	rddreg [dreg:$0x11];
	[sflag:s22] =	ssyncadd.s32 $0xFFFFD800  }
0x6d: {  	[spmem:s5] =	stream.linear.scatter [tilespmem:s21], [sflag:$0xD], $0x2800, $0x38;
	[tilespmem:$0x1F088] =	vst v63  }
0x6e: {  	_ =	swait.ge [sflag:s22], $0x2800  }
0x6f: {  	[sflag:s22] =	ssyncset.done $0x0  }
0x70: {  	s2 =	rddreg [dreg:$0x12];
	[sflag:s22] =	ssyncadd.s32 $0xFFFFD800  }
0x71: {  	[spmem:s2] =	stream.linear.scatter [tilespmem:s21], [sflag:$0xD], $0x2800, $0x38;
	[tilespmem:$0x1F088] =	vst v63  }
0x72: {  	_ =	swait.ge [sflag:s22], $0x2800  }
0x73: {  	[sflag:s22] =	ssyncset.done $0x0  }
0x74: {  	s5 =	simm.s32 $0xAB88;
	[sflag:s22] =	ssyncadd.s32 $0xFFFFD800  }
0x75: {  	[spmem:s8] =	stream.linear.scatter [tilespmem:s5], [sflag:$0xD], $0x280, $0x38;
	[tilespmem:$0x1F088] =	vst v63  }
0x76: {  	_ =	swait.ge [sflag:s22], $0x280  }
0x77: {  	[sflag:s22] =	ssyncset.done $0x0  }
0x78: {  	[sflag:s22] =	ssyncadd.s32 $0xFFFFFD80  }
0x79: {  	s29 =	simm.s32 $0x0;
	s2 =	simm.s32 $0x0;
	[bflag:$0x0] =	sbarrier.arrive $0xFFFF  }
.LBB2_4:
0x7a: {  	s5 =	smul.u32 $0x19, s2  }
0x7b: {  	s0 =	rddreg [dreg:$0x7]  }
0x7c: {  	s5 =	sadd.s32 s0, s5  }
0x7d: {  	s5 =	smul.u32 $0x68, s5;
	_ =	sdelay $0x1  }
0x7e: {  	s8 =	rddreg [dreg:$0x0];
	s5 =	sshrl.u32 s5, $0x3  }
0x7f: {  	s5 =	sadd.s32 s8, s5  }
0x80: {  	[tilespmem:s29], [sflag:$0xD] =	stream.linear.gather [hbm4b:s5+s29], $0xA28, $0x38;
	[tilespmem:$0x1F088] =	vst v63  }
0x81: {  	_ =	swait.ge [sflag:s22], $0xA28  }
0x82: {  	[sflag:s22] =	ssyncset.done $0x0  }
0x83: {  	s8 =	simm.s32 $0xA28;
	s5 =	sadd.s32 $0xA280, s5;
	[sflag:s22] =	ssyncadd.s32 $0xFFFFF5D8  }
0x84: {  	[tilespmem:s8], [sflag:$0xD] =	stream.linear.gather [hbm4b:s5+s29], $0xA28, $0x38;
	[tilespmem:$0x1F088] =	vst v63  }
0x85: {  	_ =	swait.ge [sflag:s22], $0xA28  }
0x86: {  	[sflag:s22] =	ssyncset.done $0x0  }
0x87: {  	[sflag:s22] =	ssyncadd.s32 $0xFFFFF5D8  }
0x88: {  	[tilespmem:s21], [sflag:$0x1] =	stream.indirect.gather [hbm4b:s6+s26], $0x80, s29, s26, $0xb8;
	[tilespmem:$0x1F088] =	vst v63  }
0x89: {  	_ = 	snop  }
0x8a: {  	[tilespmem:s28], [sflag:$0x7] =	stream.indirect.gather [hbm4b:s7+s26], $0x1, s29, s26, $0xb8;
	[tilespmem:$0x1F088] =	vst v63  }
0x8b: {  	s8 =	simm.s32 $0x68  }
0x8c: {  	[tilespmem:s30], [sflag:$0x2] =	stream.indirect.gather [hbm4b:s6+s26], $0x80, s8, s26, $0xb8;
	[tilespmem:$0x1F088] =	vst v63  }
0x8d: {  	_ = 	snop  }
0x8e: {  	[tilespmem:s31], [sflag:$0x8] =	stream.indirect.gather [hbm4b:s7+s26], $0x1, s8, s26, $0xb8;
	[tilespmem:$0x1F088] =	vst v63  }
0x8f: {  	s5 =	simm.s32 $0xD0  }
0x90: {  	[tilespmem:s23], [sflag:$0x3] =	stream.indirect.gather [hbm4b:s6+s26], $0x80, s5, s26, $0xb8;
	[tilespmem:$0x1F088] =	vst v63  }
0x91: {  	_ = 	snop  }
0x92: {  	[tilespmem:s1], [sflag:$0x9] =	stream.indirect.gather [hbm4b:s7+s26], $0x1, s5, s26, $0xb8;
	[tilespmem:$0x1F088] =	vst v63  }
0x93: {  	_ =	swait.ge [sflag:s10], $0x3200  }
0x94: {  	[sflag:s10] =	ssyncset.done $0x0  }
0x95: {  	s8 =	simm.s32 $0xA28;
	[sflag:s10] =	ssyncadd.s32 $0xFFFFCE00  }
0x96: {  	[spmem:s3] =	stream.indirect.scatter.add.f32 [tilespmem:s21], [sflag:$0x4], $0x80, s8, s26, $0xb8;
	[tilespmem:$0x1F088] =	vst v63  }
0x97: {  	_ =	swait.ge [sflag:s12], $0x64  }
0x98: {  	[sflag:s12] =	ssyncset.done $0x0  }
0x99: {  	[sflag:s12] =	ssyncadd.s32 $0xFFFFFF9C  }
0x9a: {  	[spmem:s4] =	stream.indirect.scatter.add.f32 [tilespmem:s28], [sflag:$0xA], $0x1, s8, s26, $0xb8;
	[tilespmem:$0x1F088] =	vst v63  }
0x9b: {  	_ =	swait.ge [sflag:s13], $0x3200  }
0x9c: {  	[sflag:s13] =	ssyncset.done $0x0  }
0x9d: {  	[sflag:s13] =	ssyncadd.s32 $0xFFFFCE00  }
0x9e: {  	_ =	swait.ge [sflag:s14], $0x64  }
0x9f: {  	[sflag:s14] =	ssyncset.done $0x0  }
0xa0: {  	s0 =	simm.s32 $0x138;
	[sflag:s14] =	ssyncadd.s32 $0xFFFFFF9C  }
0xa1: {  	[tilespmem:s21], [sflag:$0x1] =	stream.indirect.gather [hbm4b:s6+s26], $0x80, s0, s26, $0xb8;
	[tilespmem:$0x1F088] =	vst v63  }
0xa2: {  	_ = 	snop  }
0xa3: {  	[tilespmem:s28], [sflag:$0x7] =	stream.indirect.gather [hbm4b:s7+s26], $0x1, s0, s26, $0xb8;
	[tilespmem:$0x1F088] =	vst v63  }
0xa4: {  	_ =	swait.ge [sflag:s15], $0x3200  }
0xa5: {  	[sflag:s15] =	ssyncset.done $0x0  }
0xa6: {  	s8 =	simm.s32 $0xA90;
	[sflag:s15] =	ssyncadd.s32 $0xFFFFCE00  }
0xa7: {  	[spmem:s3] =	stream.indirect.scatter.add.f32 [tilespmem:s30], [sflag:$0x5], $0x80, s8, s26, $0xb8;
	[tilespmem:$0x1F088] =	vst v63  }
0xa8: {  	_ =	swait.ge [sflag:s16], $0x64  }
0xa9: {  	[sflag:s16] =	ssyncset.done $0x0  }
0xaa: {  	[sflag:s16] =	ssyncadd.s32 $0xFFFFFF9C  }
0xab: {  	[spmem:s4] =	stream.indirect.scatter.add.f32 [tilespmem:s31], [sflag:$0xB], $0x1, s8, s26, $0xb8;
	[tilespmem:$0x1F088] =	vst v63  }
0xac: {  	_ =	swait.ge [sflag:s17], $0x3200  }
0xad: {  	[sflag:s17] =	ssyncset.done $0x0  }
0xae: {  	[sflag:s17] =	ssyncadd.s32 $0xFFFFCE00  }
0xaf: {  	_ =	swait.ge [sflag:s18], $0x64  }
0xb0: {  	[sflag:s18] =	ssyncset.done $0x0  }
0xb1: {  	s0 =	simm.s32 $0x1A0;
	[sflag:s18] =	ssyncadd.s32 $0xFFFFFF9C  }
0xb2: {  	[tilespmem:s30], [sflag:$0x2] =	stream.indirect.gather [hbm4b:s6+s26], $0x80, s0, s26, $0xb8;
	[tilespmem:$0x1F088] =	vst v63  }
0xb3: {  	_ = 	snop  }
0xb4: {  	[tilespmem:s31], [sflag:$0x8] =	stream.indirect.gather [hbm4b:s7+s26], $0x1, s0, s26, $0xb8;
	[tilespmem:$0x1F088] =	vst v63  }
0xb5: {  	_ =	swait.ge [sflag:s19], $0x3200  }
0xb6: {  	[sflag:s19] =	ssyncset.done $0x0  }
0xb7: {  	s8 =	simm.s32 $0xAF8;
	[sflag:s19] =	ssyncadd.s32 $0xFFFFCE00  }
0xb8: {  	[spmem:s3] =	stream.indirect.scatter.add.f32 [tilespmem:s23], [sflag:$0x6], $0x80, s8, s26, $0xb8;
	[tilespmem:$0x1F088] =	vst v63  }
0xb9: {  	_ =	swait.ge [sflag:s20], $0x64  }
0xba: {  	[sflag:s20] =	ssyncset.done $0x0  }
0xbb: {  	[sflag:s20] =	ssyncadd.s32 $0xFFFFFF9C  }
0xbc: {  	[spmem:s4] =	stream.indirect.scatter.add.f32 [tilespmem:s1], [sflag:$0xC], $0x1, s8, s26, $0xb8;
	[tilespmem:$0x1F088] =	vst v63  }
0xbd: {  	_ =	swait.ge [sflag:s25], $0x3200  }
0xbe: {  	[sflag:s25] =	ssyncset.done $0x0  }
0xbf: {  	[sflag:s25] =	ssyncadd.s32 $0xFFFFCE00  }
0xc0: {  	_ =	swait.ge [sflag:s11], $0x64  }
0xc1: {  	[sflag:s11] =	ssyncset.done $0x0  }
0xc2: {  	s5 =	simm.s32 $0x208;
	s8 =	simm.s32 $0x4E0;
	[sflag:s11] =	ssyncadd.s32 $0xFFFFFF9C  }
0xc3: {  	[tilespmem:s23], [sflag:$0x3] =	stream.indirect.gather [hbm4b:s6+s26], $0x80, s5, s26, $0xb8;
	[tilespmem:$0x1F088] =	vst v63  }
.LBB2_5:
0xc4: {  	[tilespmem:s1], [sflag:$0x9] =	stream.indirect.gather [hbm4b:s7+s26], $0x1, s5, s26, $0xb8;
	[tilespmem:$0x1F088] =	vst v63  }
0xc5: {  	s5 =	smov.u32 s8  }
0xc6: {  	p0 =	sne.s32 s8, $0x1D40;
	s8 =	sadd.s32 $0x4E0, s8;
	_ =	swait.ge [sflag:s10], $0x3200  }
0xc7: {  	s5 =	sshra.s32 s5, $0x2;
	[sflag:s10] =	ssyncset.done $0x0  }
0xc8: {  	s0 =	sadd.s32 $0xA28, s5;
	[sflag:s10] =	ssyncadd.s32 $0xFFFFCE00  }
0xc9: {  	[spmem:s3] =	stream.indirect.scatter.add.f32 [tilespmem:s21], [sflag:$0x4], $0x80, s0, s26, $0xb8;
	[tilespmem:$0x1F088] =	vst v63  }
0xca: {  	_ =	swait.ge [sflag:s12], $0x64  }
0xcb: {  	[sflag:s12] =	ssyncset.done $0x0  }
0xcc: {  	[sflag:s12] =	ssyncadd.s32 $0xFFFFFF9C  }
0xcd: {  	[spmem:s4] =	stream.indirect.scatter.add.f32 [tilespmem:s28], [sflag:$0xA], $0x1, s0, s26, $0xb8;
	[tilespmem:$0x1F088] =	vst v63  }
0xce: {  	_ =	swait.ge [sflag:s13], $0x3200  }
0xcf: {  	[sflag:s13] =	ssyncset.done $0x0  }
0xd0: {  	[sflag:s13] =	ssyncadd.s32 $0xFFFFCE00  }
0xd1: {  	_ =	swait.ge [sflag:s14], $0x64  }
0xd2: {  	[sflag:s14] =	ssyncset.done $0x0  }
0xd3: {  	s0 =	sadd.s32 $0x138, s5;
	[sflag:s14] =	ssyncadd.s32 $0xFFFFFF9C  }
0xd4: {  	[tilespmem:s21], [sflag:$0x1] =	stream.indirect.gather [hbm4b:s6+s26], $0x80, s0, s26, $0xb8;
	[tilespmem:$0x1F088] =	vst v63  }
0xd5: {  	_ = 	snop  }
0xd6: {  	[tilespmem:s28], [sflag:$0x7] =	stream.indirect.gather [hbm4b:s7+s26], $0x1, s0, s26, $0xb8;
	[tilespmem:$0x1F088] =	vst v63  }
0xd7: {  	_ =	swait.ge [sflag:s15], $0x3200  }
0xd8: {  	[sflag:s15] =	ssyncset.done $0x0  }
0xd9: {  	s0 =	sadd.s32 $0xA90, s5;
	[sflag:s15] =	ssyncadd.s32 $0xFFFFCE00  }
0xda: {  	[spmem:s3] =	stream.indirect.scatter.add.f32 [tilespmem:s30], [sflag:$0x5], $0x80, s0, s26, $0xb8;
	[tilespmem:$0x1F088] =	vst v63  }
0xdb: {  	_ =	swait.ge [sflag:s16], $0x64  }
0xdc: {  	[sflag:s16] =	ssyncset.done $0x0  }
0xdd: {  	[sflag:s16] =	ssyncadd.s32 $0xFFFFFF9C  }
0xde: {  	[spmem:s4] =	stream.indirect.scatter.add.f32 [tilespmem:s31], [sflag:$0xB], $0x1, s0, s26, $0xb8;
	[tilespmem:$0x1F088] =	vst v63  }
0xdf: {  	_ =	swait.ge [sflag:s17], $0x3200  }
0xe0: {  	[sflag:s17] =	ssyncset.done $0x0  }
0xe1: {  	[sflag:s17] =	ssyncadd.s32 $0xFFFFCE00  }
0xe2: {  	_ =	swait.ge [sflag:s18], $0x64  }
0xe3: {  	[sflag:s18] =	ssyncset.done $0x0  }
0xe4: {  	s0 =	sadd.s32 $0x1A0, s5;
	[sflag:s18] =	ssyncadd.s32 $0xFFFFFF9C  }
0xe5: {  	[tilespmem:s30], [sflag:$0x2] =	stream.indirect.gather [hbm4b:s6+s26], $0x80, s0, s26, $0xb8;
	[tilespmem:$0x1F088] =	vst v63  }
0xe6: {  	_ = 	snop  }
0xe7: {  	[tilespmem:s31], [sflag:$0x8] =	stream.indirect.gather [hbm4b:s7+s26], $0x1, s0, s26, $0xb8;
	[tilespmem:$0x1F088] =	vst v63  }
0xe8: {  	_ =	swait.ge [sflag:s19], $0x3200  }
0xe9: {  	[sflag:s19] =	ssyncset.done $0x0  }
0xea: {  	s0 =	sadd.s32 $0xAF8, s5;
	[sflag:s19] =	ssyncadd.s32 $0xFFFFCE00  }
0xeb: {  	[spmem:s3] =	stream.indirect.scatter.add.f32 [tilespmem:s23], [sflag:$0x6], $0x80, s0, s26, $0xb8;
	[tilespmem:$0x1F088] =	vst v63  }
0xec: {  	_ =	swait.ge [sflag:s20], $0x64  }
0xed: {  	[sflag:s20] =	ssyncset.done $0x0  }
0xee: {  	[sflag:s20] =	ssyncadd.s32 $0xFFFFFF9C  }
0xef: {  	[spmem:s4] =	stream.indirect.scatter.add.f32 [tilespmem:s1], [sflag:$0xC], $0x1, s0, s26, $0xb8;
	[tilespmem:$0x1F088] =	vst v63  }
0xf0: {  	_ =	swait.ge [sflag:s25], $0x3200  }
0xf1: {  	[sflag:s25] =	ssyncset.done $0x0  }
.Ltmp1:
0xf2: {  	[sflag:s25] =	ssyncadd.s32 $0xFFFFCE00;
	(pc) =	sbr.rel @p0 .LBB2_5-.Ltmp1, $4  }
0xf3: {  	_ =	swait.ge [sflag:s11], $0x64  }
0xf4: {  	[sflag:s11] =	ssyncset.done $0x0  }
0xf5: {  	s5 =	sadd.s32 $0x208, s5;
	[sflag:s11] =	ssyncadd.s32 $0xFFFFFF9C  }
0xf6: {  	[tilespmem:s23], [sflag:$0x3] =	stream.indirect.gather [hbm4b:s6+s26], $0x80, s5, s26, $0xb8;
	[tilespmem:$0x1F088] =	vst v63  }
0xf7: {  	[tilespmem:s1], [sflag:$0x9] =	stream.indirect.gather [hbm4b:s7+s26], $0x1, s5, s26, $0xb8;
	[tilespmem:$0x1F088] =	vst v63  }
0xf8: {  	_ =	swait.ge [sflag:s10], $0x3200  }
0xf9: {  	[sflag:s10] =	ssyncset.done $0x0  }
0xfa: {  	s0 =	simm.s32 $0x12B0;
	[sflag:s10] =	ssyncadd.s32 $0xFFFFCE00  }
0xfb: {  	[spmem:s3] =	stream.indirect.scatter.add.f32 [tilespmem:s21], [sflag:$0x4], $0x80, s0, s26, $0xb8;
	[tilespmem:$0x1F088] =	vst v63  }
0xfc: {  	_ =	swait.ge [sflag:s12], $0x64  }
0xfd: {  	[sflag:s12] =	ssyncset.done $0x0  }
0xfe: {  	[sflag:s12] =	ssyncadd.s32 $0xFFFFFF9C  }
0xff: {  	[spmem:s4] =	stream.indirect.scatter.add.f32 [tilespmem:s28], [sflag:$0xA], $0x1, s0, s26, $0xb8;
	[tilespmem:$0x1F088] =	vst v63  }
0x100: {  	_ =	swait.ge [sflag:s13], $0x3200  }
0x101: {  	[sflag:s13] =	ssyncset.done $0x0  }
0x102: {  	[sflag:s13] =	ssyncadd.s32 $0xFFFFCE00  }
0x103: {  	_ =	swait.ge [sflag:s14], $0x64  }
0x104: {  	[sflag:s14] =	ssyncset.done $0x0  }
0x105: {  	s5 =	simm.s32 $0x9C0;
	[sflag:s14] =	ssyncadd.s32 $0xFFFFFF9C  }
0x106: {  	[tilespmem:s21], [sflag:$0x1] =	stream.indirect.gather [hbm4b:s6+s26], $0x80, s5, s26, $0xb8;
	[tilespmem:$0x1F088] =	vst v63  }
0x107: {  	_ = 	snop  }
0x108: {  	[tilespmem:s28], [sflag:$0x7] =	stream.indirect.gather [hbm4b:s7+s26], $0x1, s5, s26, $0xb8;
	[tilespmem:$0x1F088] =	vst v63  }
0x109: {  	_ =	swait.ge [sflag:s15], $0x3200  }
0x10a: {  	[sflag:s15] =	ssyncset.done $0x0  }
0x10b: {  	s8 =	simm.s32 $0x1318;
	[sflag:s15] =	ssyncadd.s32 $0xFFFFCE00  }
0x10c: {  	[spmem:s3] =	stream.indirect.scatter.add.f32 [tilespmem:s30], [sflag:$0x5], $0x80, s8, s26, $0xb8;
	[tilespmem:$0x1F088] =	vst v63  }
0x10d: {  	_ =	swait.ge [sflag:s16], $0x64  }
0x10e: {  	[sflag:s16] =	ssyncset.done $0x0  }
0x10f: {  	[sflag:s16] =	ssyncadd.s32 $0xFFFFFF9C  }
0x110: {  	[spmem:s4] =	stream.indirect.scatter.add.f32 [tilespmem:s31], [sflag:$0xB], $0x1, s8, s26, $0xb8;
	[tilespmem:$0x1F088] =	vst v63  }
0x111: {  	_ =	swait.ge [sflag:s17], $0x3200  }
0x112: {  	[sflag:s17] =	ssyncset.done $0x0  }
0x113: {  	[sflag:s17] =	ssyncadd.s32 $0xFFFFCE00  }
0x114: {  	_ =	swait.ge [sflag:s18], $0x64  }
0x115: {  	[sflag:s18] =	ssyncset.done $0x0  }
0x116: {  	[sflag:s18] =	ssyncadd.s32 $0xFFFFFF9C  }
0x117: {  	_ =	swait.ge [sflag:s19], $0x3200  }
0x118: {  	[sflag:s19] =	ssyncset.done $0x0  }
0x119: {  	[sflag:s19] =	ssyncadd.s32 $0xFFFFCE00  }
0x11a: {  	[spmem:s3] =	stream.indirect.scatter.add.f32 [tilespmem:s23], [sflag:$0x6], $0x80, s24, s26, $0xb8;
	[tilespmem:$0x1F088] =	vst v63  }
0x11b: {  	_ =	swait.ge [sflag:s20], $0x64  }
0x11c: {  	[sflag:s20] =	ssyncset.done $0x0  }
0x11d: {  	[sflag:s20] =	ssyncadd.s32 $0xFFFFFF9C  }
0x11e: {  	[spmem:s4] =	stream.indirect.scatter.add.f32 [tilespmem:s1], [sflag:$0xC], $0x1, s24, s26, $0xb8;
	[tilespmem:$0x1F088] =	vst v63  }
0x11f: {  	_ =	swait.ge [sflag:s25], $0x3200  }
0x120: {  	[sflag:s25] =	ssyncset.done $0x0  }
0x121: {  	[sflag:s25] =	ssyncadd.s32 $0xFFFFCE00  }
0x122: {  	_ =	swait.ge [sflag:s11], $0x64  }
0x123: {  	[sflag:s11] =	ssyncset.done $0x0  }
0x124: {  	[sflag:s11] =	ssyncadd.s32 $0xFFFFFF9C  }
0x125: {  	_ =	swait.ge [sflag:s10], $0x3200  }
0x126: {  	[sflag:s10] =	ssyncset.done $0x0  }
0x127: {  	[sflag:s10] =	ssyncadd.s32 $0xFFFFCE00  }
0x128: {  	[spmem:s3] =	stream.indirect.scatter.add.f32 [tilespmem:s21], [sflag:$0x4], $0x80, s9, s26, $0xb8;
	[tilespmem:$0x1F088] =	vst v63  }
0x129: {  	_ =	swait.ge [sflag:s12], $0x64  }
0x12a: {  	[sflag:s12] =	ssyncset.done $0x0  }
0x12b: {  	s2 =	sadd.s32 $0x1, s2;
	[sflag:s12] =	ssyncadd.s32 $0xFFFFFF9C  }
0x12c: {  	[spmem:s4] =	stream.indirect.scatter.add.f32 [tilespmem:s28], [sflag:$0xA], $0x1, s9, s26, $0xb8;
	[tilespmem:$0x1F088] =	vst v63  }
0x12d: {  	p0 =	sne.s32 s2, $0x4;
	_ =	swait.ge [sflag:s13], $0x3200  }
.Ltmp2:
0x12e: {  	[sflag:s13] =	ssyncset.done $0x0;
	(pc) =	sbr.rel @p0 .LBB2_4-.Ltmp2, $4  }
0x12f: {  	[sflag:s13] =	ssyncadd.s32 $0xFFFFCE00  }
0x130: {  	_ =	swait.ge [sflag:s14], $0x64  }
0x131: {  	[sflag:s14] =	ssyncset.done $0x0  }
0x132: {  	[sflag:s14] =	ssyncadd.s32 $0xFFFFFF9C  }
0x133: {  	s0 =	stileid.u32;
	[bflag:$0x0] =	sbarrier.arrive $0xFFFF  }
0x134: {  	s0 =	sshll.u32 s0, $0x6;
	s2 =	rddreg [dreg:$0x8]  }
0x135: {  	s5 =	rddreg [dreg:$0x13];
	s0 =	sor.u32 $0x1C0D, s0  }
0x136: {  	[hbm:s2], [sflag:s0] =	dma.local [spmem:s5], $0x2800  }
0x137: {  	_ =	swait.ge [sflag:s22], $0x2800  }
0x138: {  	[sflag:s22] =	ssyncset.done $0x0;
	s8 =	rddreg [dreg:$0x6]  }
0x139: {  	s5 =	rddreg [dreg:$0xa];
	[sflag:s22] =	ssyncadd.s32 $0xFFFFD800;
	s2 =	sshrl.u32 s8, $0x3  }
0x13a: {  	[hbm:s5], [sflag:s0] =	dma.local [spmem:s2], $0x50  }
0x13b: {  	_ =	swait.ge [sflag:s22], $0x50  }
0x13c: {  	s29 =	rddreg [dreg:$0x5]  }
0x13d: {  	s5 =	rddreg [dreg:$0xb];
	s29 =	sadd.s32 $0x1, s29  }
0x13e: {  	p0 =	sne.s32 s29, s5  }
.Ltmp3:
0x13f: {  	_ = 	snop;
	(pc) =	sbr.rel @p0 .LBB2_1-.Ltmp3, $3  }
0x140: {  	_ =	sdelay $0x1  }
0x141: {  	[sflag:s22] =	ssyncset.done $0x0  }
0x142: {  	[sflag:s22] =	ssyncadd.s32 $0xFFFFFFB0  }
0x143: {  	_ =	sfence.sel $0x180000  }
0x144: {  	[bflag:$0x0] =	sbarrier.arrive $0xFFFF  }
0x145: {  	_ =	strace $0x9000004A  }
0x146: {  	s0 =	stileid.u32;
	[bflag:$0x2] =	sbarrier.arrive $0xFFFF  }
0x147: {  	p0 =	sne.s32 s0, $0x0;
	s0 =	rddreg [dreg:$0x4]  }
0x148: {  	s0 =	sadd.s32 @!p0 $0x100000, s0  }
0x149: {  	[sflag:s0] =	ssyncadd.tile.s32 @!p0 $0x1;
	_ =	shalt  }
.Lfunc_end2:
_tile_overlayer_lowered:
.L_overlay_start_2:
0x14a: {  	(tag) =	ssettag $0x2  }
0x14b: {  	s0 =	rddreg [dreg:$0x0];
	s2 =	stileid.u32  }
0x14c: {  	s1 =	rddreg [dreg:$0x1];
	p0 =	sne.s32 s2, $0x0  }
0x14d: {  	s3 =	rddreg [dreg:$0x2];
	[bflag:$0x3] =	sbarrier.arrive $0xFFFF;
	s2 =	simm.s32 @!p0 $0x1C0D  }
0x14e: {  	[timem:s3], [sflag:s2] =	dma.local @!p0 [hbm:s0], s1  }
0x14f: {  	s0 =	simm.s32 @!p0 $0xD  }
0x150: {  	_ =	swait.ge @!p0 [sflag:s0], s1  }
0x151: {  	s1 =	ssub.s32 @!p0 $0x0, s1;
	[sflag:s0] =	ssyncset.done @!p0 $0x0  }
0x152: {  	[sflag:s0] =	ssyncadd.s32 @!p0 s1  }
0x153: {  	[bflag:$0x3] =	sbarrier.arrive $0xFFFF  }
0x154: {  	_ =	shalt  }

</sc_bundles>
